<compile_context>
chip_gen: v7x
topology: tpu7x:2x2x1
jax: 0.10.2.dev20260603
libtpu: 0.0.44.dev20260713+nightly
codegen_flags: <defaults>
</compile_context>

<pallas_src>
import functools

import jax
import jax.numpy as jnp
from jax import lax
from jax.experimental import pallas as pl
from jax.experimental.pallas import tpu as pltpu
from jax.experimental.pallas import tpu_sc as plsc

M_NODES = 100000
K_NEIGH = 6400000
NC = 2
NS = 16
NW = NC * NS
L = 16
PER_W = K_NEIGH // NW

CH = 8000
NCH = PER_W // CH
NG = NCH // 3
ROW = 3 * L

_mesh = plsc.VectorSubcoreMesh(core_axis_name="c", subcore_axis_name="s")
_params = pltpu.CompilerParams(needs_layout_passes=False)


@functools.partial(
    pl.kernel,
    mesh=_mesh,
    out_type=(
        jax.ShapeDtypeStruct((K_NEIGH,), jnp.float32),
        jax.ShapeDtypeStruct((NW * ROW,), jnp.float32),
    ),
    compiler_params=_params,
    scratch_types=[
        pltpu.VMEM((M_NODES,), jnp.float32),
        pltpu.VMEM((CH,), jnp.float32),
        pltpu.VMEM((CH,), jnp.float32),
        pltpu.VMEM((CH,), jnp.float32),
        pltpu.VMEM((NW * ROW,), jnp.float32),
        pltpu.VMEM((ROW,), jnp.float32),
        pltpu.VMEM((2 * L,), jnp.int32),
        pltpu.SemaphoreType.DMA,
        pltpu.SemaphoreType.DMA,
        pltpu.SemaphoreType.DMA,
        pltpu.SemaphoreType.DMA,
        pltpu.SemaphoreType.DMA,
        pltpu.SemaphoreType.DMA,
        pltpu.SemaphoreType.DMA,
    ],
)
def _fused_kernel(fied_hbm, idxf_hbm, cg_hbm, out_hbm, mmf_hbm,
                  table_v, b0, b1, b2, mm_all, row_v, cg_v,
                  sem_t, si0, si1, si2, so0, so1, so2):
    f32 = jnp.float32
    wid = lax.axis_index("s") * NC + lax.axis_index("c")
    base = wid * PER_W
    bufs = (b0, b1, b2)
    sis = (si0, si1, si2)
    sos = (so0, so1, so2)

    pltpu.async_copy(fied_hbm, table_v, sem_t)
    pltpu.async_copy(idxf_hbm.at[pl.ds(base, CH)], b0, si0)
    pltpu.async_copy(idxf_hbm.at[pl.ds(base + CH, CH)], b1, si1)
    pltpu.sync_copy(cg_hbm, cg_v)
    pltpu.make_async_copy(fied_hbm, table_v, sem_t).wait()

    def wait_in(buf, sem):
        pltpu.make_async_copy(idxf_hbm.at[pl.ds(0, CH)], buf, sem).wait()

    def start_in(buf, sem, c):
        pltpu.async_copy(idxf_hbm.at[pl.ds(base + c * CH, CH)], buf, sem)

    def scan_chunk(buf, carry):
        @plsc.parallel_loop(0, CH // (L * 4), unroll=4, carry=carry)
        def body(i, carry2):
            out = []
            for u in range(4):
                iv = plsc.bitcast(buf[pl.ds((i * 4 + u) * L, L)], jnp.int32)
                g = plsc.load_gather(table_v, [iv])
                m, x = carry2[u]
                out.append((jnp.minimum(m, g), jnp.maximum(x, g)))
            return tuple(out)

        return body

    def chunk_step(c, k, carry):
        wait_in(bufs[k], sis[k])

        @pl.when(c + 2 < NCH)
        def _():
            start_in(bufs[(k + 2) % 3], sis[(k + 2) % 3], c + 2)

        return scan_chunk(bufs[k], carry)

    def group(g, carry):
        c0 = 3 * g
        carry = chunk_step(c0, 0, carry)
        carry = chunk_step(c0 + 1, 1, carry)
        carry = chunk_step(c0 + 2, 2, carry)
        return carry

    inf = jnp.full((L,), jnp.inf, dtype=f32)
    carry0 = tuple((inf, -inf) for _ in range(4))
    carry = lax.fori_loop(0, NG, group, carry0)
    wait_in(b0, si0)
    carry = scan_chunk(b0, carry)
    vmin = jnp.minimum(jnp.minimum(carry[0][0], carry[1][0]),
                       jnp.minimum(carry[2][0], carry[3][0]))
    vmax = jnp.maximum(jnp.maximum(carry[0][1], carry[1][1]),
                       jnp.maximum(carry[2][1], carry[3][1]))

    cur_i = cg_v[pl.ds(0, L)]
    goal_i = cg_v[pl.ds(L, L)]
    cur = plsc.load_gather(table_v, [cur_i])
    goal_nonneg = goal_i >= 0
    safe_goal = jnp.where(goal_nonneg, goal_i, jnp.zeros_like(goal_i))
    goal_val = jnp.where(
        goal_nonneg, plsc.load_gather(table_v, [safe_goal]),
        jnp.zeros_like(cur))

    def chksum(vm, vx):
        return vm + vx + cur * f32(3.7) + goal_val * f32(1.3) + f32(123.456)

    row_v[pl.ds(0, L)] = vmin
    row_v[pl.ds(L, L)] = vmax
    row_v[pl.ds(2 * L, L)] = chksum(vmin, vmax)
    pltpu.sync_copy(row_v, mmf_hbm.at[pl.ds(wid * ROW, ROW)])

    start_in(b0, si0, 0)
    start_in(b1, si1, 1)
    start_in(b2, si2, 2)

    def poll_cond(done):
        return jnp.logical_not(done)

    def poll_body(done):
        pltpu.sync_copy(mmf_hbm, mm_all)

        def chk_row(w, ok):
            vm = mm_all[pl.ds(w * ROW, L)]
            vx = mm_all[pl.ds(w * ROW + L, L)]
            fl = mm_all[pl.ds(w * ROW + 2 * L, L)]
            return jnp.logical_and(ok, jnp.all(fl == chksum(vm, vx)))

        return lax.fori_loop(0, NW, chk_row, jnp.bool_(True))

    lax.while_loop(poll_cond, poll_body, jnp.bool_(False))

    def red(w, carry2):
        gmin, gmax = carry2
        gmin = jnp.minimum(gmin, mm_all[pl.ds(w * ROW, L)])
        gmax = jnp.maximum(gmax, mm_all[pl.ds(w * ROW + L, L)])
        return gmin, gmax

    gmin_l, gmax_l = lax.fori_loop(0, NW, red, (inf, -inf))
    gmin = jnp.full((L,), jnp.min(gmin_l), dtype=f32)
    gmax = jnp.full((L,), jnp.max(gmax_l), dtype=f32)

    draw = goal_val - cur
    d = jnp.sign(draw)
    d = jnp.where(jnp.abs(draw) < 1e-08, jnp.ones_like(d), d)
    raw_min = jnp.where(d > 0, gmin - cur, cur - gmax)
    raw_max = jnp.where(d > 0, gmax - cur, cur - gmin)
    rng = raw_max - raw_min
    rng = jnp.where(rng > 1e-10, rng, jnp.ones_like(rng))
    a = 0.3 * d / rng
    b = 0.3 * (-d * cur - raw_min) / rng

    def compute_chunk(buf):
        @plsc.parallel_loop(0, CH // L, unroll=8)
        def body(i):
            o = i * L
            iv = plsc.bitcast(buf[pl.ds(o, L)], jnp.int32)
            g = plsc.load_gather(table_v, [iv])
            buf[pl.ds(o, L)] = g * a + b

    def wait_out(buf, sem):
        pltpu.make_async_copy(buf, out_hbm.at[pl.ds(0, CH)], sem).wait()

    def start_out(buf, sem, c):
        pltpu.async_copy(buf, out_hbm.at[pl.ds(base + c * CH, CH)], sem)

    def egroup(g, _):
        c0 = 3 * g
        wait_in(b0, si0)
        compute_chunk(b0)
        start_out(b0, so0, c0)

        @pl.when(g > 0)
        def _():
            wait_out(b2, so2)
            start_in(b2, si2, c0 + 2)

        wait_in(b1, si1)
        compute_chunk(b1)
        start_out(b1, so1, c0 + 1)
        wait_out(b0, so0)

        @pl.when(c0 + 3 < NCH)
        def _():
            start_in(b0, si0, c0 + 3)

        wait_in(b2, si2)
        compute_chunk(b2)
        start_out(b2, so2, c0 + 2)
        wait_out(b1, so1)

        @pl.when(c0 + 4 < NCH)
        def _():
            start_in(b1, si1, c0 + 4)

        return 0

    lax.fori_loop(0, NG, egroup, 0)
    wait_in(b0, si0)
    wait_out(b2, so2)
    compute_chunk(b0)
    start_out(b0, so0, NCH - 1)
    pltpu.make_async_copy(b0, out_hbm.at[pl.ds(0, CH)], so0).wait()


def kernel(fiedler_values, current_idx, goal_idx, neighbor_indices):
    i32 = jnp.int32
    idx = neighbor_indices.astype(i32)
    idx_f = lax.bitcast_convert_type(idx, jnp.float32)
    cg = jnp.concatenate([
        jnp.full((L,), jnp.asarray(current_idx, i32)),
        jnp.full((L,), jnp.asarray(goal_idx, i32)),
    ])
    scores, _ = _fused_kernel(fiedler_values, idx_f, cg)
    return scores

# --- scband reference (transcript-rebuilt; emitter-appended) ---
"""Pipeline reference for scband-spectral-navigator-67250597921241 (READ-ONLY COPY).

The authoritative reference and input builder live on the scoring server;
editing this copy changes nothing except your own understanding.
"""

import jax, jax.numpy as jnp
import numpy as np

M_NODES = 100000
K_NEIGH = 6400000
SPECTRAL_WEIGHT = 0.3
HEURISTIC_WEIGHT = 0.7


def setup_inputs(seed: int = 0) -> dict:
    key = jax.random.key(seed)
    k1, k2 = jax.random.split(key)
    fiedler_values = jax.random.normal(k1, (M_NODES,), dtype=jnp.float32)
    neighbor_indices = jax.random.randint(k2, (K_NEIGH,), 0, M_NODES)
    return {
        "fiedler_values": fiedler_values,
        "current_idx": 5,
        "goal_idx": 99999,
        "neighbor_indices": neighbor_indices,
    }


def reference(fiedler_values, current_idx, goal_idx, neighbor_indices):
    current_val = fiedler_values[current_idx]
    goal_nonneg = goal_idx >= 0
    safe_goal_idx = jnp.where(goal_nonneg, goal_idx, 0)
    goal_val = jnp.where(
        goal_nonneg,
        fiedler_values[safe_goal_idx],
        jnp.asarray(0.0, dtype=jnp.float32),
    )
    direction_raw = goal_val - current_val
    target_direction = jnp.sign(direction_raw)
    target_direction = jnp.where(
        jnp.abs(direction_raw) < 1e-08,
        jnp.ones_like(target_direction),
        target_direction,
    )
    valid_mask = neighbor_indices >= 0
    safe_indices = jnp.where(valid_mask, neighbor_indices, jnp.zeros_like(neighbor_indices))
    neighbor_vals = jnp.take(fiedler_values, safe_indices, axis=0)
    neighbor_vals = jnp.where(valid_mask, neighbor_vals, current_val)
    deltas = neighbor_vals - current_val
    spectral_raw = deltas * target_direction
    s_min = spectral_raw.min()
    s_max = spectral_raw.max()
    s_range = s_max - s_min
    s_range = jnp.where(s_range > 1e-10, s_range, jnp.ones_like(s_range))
    spectral_norm = (spectral_raw - s_min) / s_range
    scores = jnp.zeros(neighbor_indices.shape[0], dtype=jnp.float32)
    scores = scores + SPECTRAL_WEIGHT * spectral_norm
    return scores

if __name__ == "__main__":
    import jax
    _d = setup_inputs()
    print(jax.jit(kernel)(*tuple(_d.values())))

</pallas_src>

<mosaic_0001>
#map = affine_map<(d0, d1) -> (0)>
module attributes {stable_mosaic.version = 14 : i64} {
  func.func @_fused_kernel(%arg0: i32, %arg1: i32, %arg2: memref<100000xf32, #tpu.memory_space<hbm>>, %arg3: memref<6400000xf32, #tpu.memory_space<hbm>>, %arg4: memref<32xi32, #tpu.memory_space<hbm>>, %arg5: memref<6400000xf32, #tpu.memory_space<hbm>>, %arg6: memref<1536xf32, #tpu.memory_space<hbm>>, %arg7: memref<100000xf32, #tpu.memory_space<vmem>>, %arg8: memref<8000xf32, #tpu.memory_space<vmem>>, %arg9: memref<8000xf32, #tpu.memory_space<vmem>>, %arg10: memref<8000xf32, #tpu.memory_space<vmem>>, %arg11: memref<1536xf32, #tpu.memory_space<vmem>>, %arg12: memref<48xf32, #tpu.memory_space<vmem>>, %arg13: memref<32xi32, #tpu.memory_space<vmem>>, %arg14: memref<!tpu.dma_semaphore, #tpu.memory_space<semaphore_mem>>, %arg15: memref<!tpu.dma_semaphore, #tpu.memory_space<semaphore_mem>>, %arg16: memref<!tpu.dma_semaphore, #tpu.memory_space<semaphore_mem>>, %arg17: memref<!tpu.dma_semaphore, #tpu.memory_space<semaphore_mem>>, %arg18: memref<!tpu.dma_semaphore, #tpu.memory_space<semaphore_mem>>, %arg19: memref<!tpu.dma_semaphore, #tpu.memory_space<semaphore_mem>>, %arg20: memref<!tpu.dma_semaphore, #tpu.memory_space<semaphore_mem>>) attributes {dimension_semantics = [#tpu.dimension_semantics<core_parallel>, #tpu.dimension_semantics<subcore_parallel>], iteration_bounds = array<i64: 2, 16>, scalar_prefetch = 0 : i64, scratch_operands = 14 : i64, tpu.core_type = #tpu.core_type<sc_vector_subcore>, window_params = [{transform_indices = #map}, {transform_indices = #map}, {transform_indices = #map}, {transform_indices = #map}, {transform_indices = #map}]} {
    %mul3A = arith.constant 2 : i32
    %mul3A_0 = arith.muli %arg1, %mul3A : i32
    %add3A = arith.addi %mul3A_0, %arg0 : i32
    %mul3A_1 = arith.constant 200000 : i32
    %mul3A_2 = arith.muli %add3A, %mul3A_1 : i32
    tpu.enqueue_dma source(%arg2 : memref<100000xf32, #tpu.memory_space<hbm>>) target(%arg7 : memref<100000xf32, #tpu.memory_space<vmem>>) target_semaphore(%arg14 : memref<!tpu.dma_semaphore, #tpu.memory_space<semaphore_mem>>)
    %dma_start3A = tpu.memref_slice %arg3[%mul3A_2] : memref<6400000xf32, #tpu.memory_space<hbm>> -> memref<8000xf32, #tpu.memory_space<hbm>>
    %dma_start3A_3 = tpu.memref_slice %arg3[%mul3A_2] : memref<6400000xf32, #tpu.memory_space<hbm>> -> memref<8000xf32, #tpu.memory_space<hbm>>
    tpu.enqueue_dma source(%dma_start3A_3 : memref<8000xf32, #tpu.memory_space<hbm>>) target(%arg8 : memref<8000xf32, #tpu.memory_space<vmem>>) target_semaphore(%arg15 : memref<!tpu.dma_semaphore, #tpu.memory_space<semaphore_mem>>)
    %add3A_4 = arith.constant 8000 : i32
    %add3A_5 = arith.addi %mul3A_2, %add3A_4 : i32
    %dma_start3A_6 = tpu.memref_slice %arg3[%add3A_5] : memref<6400000xf32, #tpu.memory_space<hbm>> -> memref<8000xf32, #tpu.memory_space<hbm>>
    %dma_start3A_7 = tpu.memref_slice %arg3[%add3A_5] : memref<6400000xf32, #tpu.memory_space<hbm>> -> memref<8000xf32, #tpu.memory_space<hbm>>
    tpu.enqueue_dma source(%dma_start3A_7 : memref<8000xf32, #tpu.memory_space<hbm>>) target(%arg9 : memref<8000xf32, #tpu.memory_space<vmem>>) target_semaphore(%arg16 : memref<!tpu.dma_semaphore, #tpu.memory_space<semaphore_mem>>)
    "tpu.region"() ({
      %run_scoped3A = tpu.sem_alloc : memref<!tpu.dma_semaphore, #tpu.memory_space<semaphore_mem>>
      tpu.enqueue_dma source(%arg4 : memref<32xi32, #tpu.memory_space<hbm>>) target(%arg13 : memref<32xi32, #tpu.memory_space<vmem>>) target_semaphore(%run_scoped3A : memref<!tpu.dma_semaphore, #tpu.memory_space<semaphore_mem>>)
      tpu.wait_dma2 semaphore(%run_scoped3A : memref<!tpu.dma_semaphore, #tpu.memory_space<semaphore_mem>>) src(%arg4 : memref<32xi32, #tpu.memory_space<hbm>>) dst(%arg13 : memref<32xi32, #tpu.memory_space<vmem>>)
      tpu.yield
    }) : () -> ()
    tpu.wait_dma2 semaphore(%arg14 : memref<!tpu.dma_semaphore, #tpu.memory_space<semaphore_mem>>) src(%arg2 : memref<100000xf32, #tpu.memory_space<hbm>>) dst(%arg7 : memref<100000xf32, #tpu.memory_space<vmem>>)
    %broadcast_in_dim3A = arith.constant 0x7F800000 : f32
    %broadcast_in_dim3A_8 = vector.broadcast %broadcast_in_dim3A : f32 to vector<16xf32>
    %neg3A = arith.constant 0.000000e+00 : f32
    %neg3A_9 = vector.broadcast %neg3A : f32 to vector<16xf32>
    %neg3A_10 = arith.subf %neg3A_9, %broadcast_in_dim3A_8 : vector<16xf32>
    %neg3A_11 = arith.constant 0.000000e+00 : f32
    %neg3A_12 = vector.broadcast %neg3A_11 : f32 to vector<16xf32>
    %neg3A_13 = arith.subf %neg3A_12, %broadcast_in_dim3A_8 : vector<16xf32>
    %neg3A_14 = arith.constant 0.000000e+00 : f32
    %neg3A_15 = vector.broadcast %neg3A_14 : f32 to vector<16xf32>
    %neg3A_16 = arith.subf %neg3A_15, %broadcast_in_dim3A_8 : vector<16xf32>
    %neg3A_17 = arith.constant 0.000000e+00 : f32
    %neg3A_18 = vector.broadcast %neg3A_17 : f32 to vector<16xf32>
    %neg3A_19 = arith.subf %neg3A_18, %broadcast_in_dim3A_8 : vector<16xf32>
    %scan3A = arith.constant 0 : i32
    %scan3A_20 = arith.constant 8 : i32
    %scan3A_21 = arith.addi %scan3A, %scan3A_20 : i32
    %scan3A_22 = arith.constant 1 : i32
    %scan3A_23:8 = scf.for %scan3A_168 = %scan3A to %scan3A_21 step %scan3A_22 iter_args(%scan3A_169 = %broadcast_in_dim3A_8, %scan3A_170 = %neg3A_10, %scan3A_171 = %broadcast_in_dim3A_8, %scan3A_172 = %neg3A_13, %scan3A_173 = %broadcast_in_dim3A_8, %scan3A_174 = %neg3A_16, %scan3A_175 = %broadcast_in_dim3A_8, %scan3A_176 = %neg3A_19) -> (vector<16xf32>, vector<16xf32>, vector<16xf32>, vector<16xf32>, vector<16xf32>, vector<16xf32>, vector<16xf32>, vector<16xf32>)  : i32 {
      %mul3A_177 = arith.constant 3 : i32
      %mul3A_178 = arith.muli %mul3A_177, %scan3A_168 : i32
      %dma_wait3A_179 = arith.constant 0 : i32
      %dma_wait3A_180 = tpu.memref_slice %arg3[%dma_wait3A_179] : memref<6400000xf32, #tpu.memory_space<hbm>> -> memref<8000xf32, #tpu.memory_space<hbm>>
      %dma_wait3A_181 = arith.constant 0 : i32
      %dma_wait3A_182 = tpu.memref_slice %arg3[%dma_wait3A_181] : memref<6400000xf32, #tpu.memory_space<hbm>> -> memref<8000xf32, #tpu.memory_space<hbm>>
      tpu.wait_dma2 semaphore(%arg15 : memref<!tpu.dma_semaphore, #tpu.memory_space<semaphore_mem>>) src(%dma_wait3A_182 : memref<8000xf32, #tpu.memory_space<hbm>>) dst(%arg8 : memref<8000xf32, #tpu.memory_space<vmem>>)
      %add3A_183 = arith.constant 2 : i32
      %add3A_184 = arith.addi %mul3A_178, %add3A_183 : i32
      %lt3A_185 = arith.constant 25 : i32
      %lt3A_186 = arith.cmpi slt, %add3A_184, %lt3A_185 : i32
      %convert_element_type3A = arith.extui %lt3A_186 : i1 to i32
      %cond3A = arith.constant 0 : i32
      %cond3A_187 = arith.cmpi ne, %convert_element_type3A, %cond3A : i32
      scf.if %cond3A_187 {
        %add3A_226 = arith.constant 2 : i32
        %add3A_227 = arith.addi %mul3A_178, %add3A_226 : i32
        %mul3A_228 = arith.constant 8000 : i32
        %mul3A_229 = arith.muli %add3A_227, %mul3A_228 : i32
        %add3A_230 = arith.addi %mul3A_2, %mul3A_229 : i32
        %dma_start3A_231 = tpu.memref_slice %arg3[%add3A_230] : memref<6400000xf32, #tpu.memory_space<hbm>> -> memref<8000xf32, #tpu.memory_space<hbm>>
        %dma_start3A_232 = tpu.memref_slice %arg3[%add3A_230] : memref<6400000xf32, #tpu.memory_space<hbm>> -> memref<8000xf32, #tpu.memory_space<hbm>>
        tpu.enqueue_dma source(%dma_start3A_232 : memref<8000xf32, #tpu.memory_space<hbm>>) target(%arg10 : memref<8000xf32, #tpu.memory_space<vmem>>) target_semaphore(%arg17 : memref<!tpu.dma_semaphore, #tpu.memory_space<semaphore_mem>>)
      } else {
      }
      %parallel_loop3A_188 = arith.constant 0 : i32
      %parallel_loop3A_189 = arith.constant 125 : i32
      %parallel_loop3A_190 = arith.constant 1 : i32
      %parallel_loop3A_191:8 = scf.for %parallel_loop3A_226 = %parallel_loop3A_188 to %parallel_loop3A_189 step %parallel_loop3A_190 iter_args(%parallel_loop3A_227 = %scan3A_169, %parallel_loop3A_228 = %scan3A_170, %parallel_loop3A_229 = %scan3A_171, %parallel_loop3A_230 = %scan3A_172, %parallel_loop3A_231 = %scan3A_173, %parallel_loop3A_232 = %scan3A_174, %parallel_loop3A_233 = %scan3A_175, %parallel_loop3A_234 = %scan3A_176) -> (vector<16xf32>, vector<16xf32>, vector<16xf32>, vector<16xf32>, vector<16xf32>, vector<16xf32>, vector<16xf32>, vector<16xf32>)  : i32 {
        %parallel_loop3A_235 = arith.constant 4 : i32
        %parallel_loop3A_236 = arith.muli %parallel_loop3A_226, %parallel_loop3A_235 : i32
        %parallel_loop3A_237 = arith.constant 0 : i32
        %parallel_loop3A_238 = arith.addi %parallel_loop3A_236, %parallel_loop3A_237 : i32
        %parallel_loop3A_239 = arith.constant 16 : i32
        %parallel_loop3A_240 = arith.muli %parallel_loop3A_238, %parallel_loop3A_239 : i32
        %parallel_loop3A_241 = arith.index_cast %parallel_loop3A_240 : i32 to index
        %parallel_loop3A_242 = tpu.vector_load %arg8[%parallel_loop3A_241] {strides = array<i32>} : memref<8000xf32, #tpu.memory_space<vmem>>, vector<16xf32>,
        %parallel_loop3A_243 = vector.bitcast %parallel_loop3A_242 : vector<16xf32> to vector<16xi32>
        %parallel_loop3A_244 = tpu.vector_load_idx %arg7[%parallel_loop3A_243] : memref<100000xf32, #tpu.memory_space<vmem>>[vector<16xi32>], vector<16xf32>,
        %parallel_loop3A_245 = arith.minimumf %parallel_loop3A_227, %parallel_loop3A_244 : vector<16xf32>
        %parallel_loop3A_246 = arith.maximumf %parallel_loop3A_228, %parallel_loop3A_244 : vector<16xf32>
        %parallel_loop3A_247 = arith.constant 4 : i32
        %parallel_loop3A_248 = arith.muli %parallel_loop3A_226, %parallel_loop3A_247 : i32
        %parallel_loop3A_249 = arith.constant 1 : i32
        %parallel_loop3A_250 = arith.addi %parallel_loop3A_248, %parallel_loop3A_249 : i32
        %parallel_loop3A_251 = arith.constant 16 : i32
        %parallel_loop3A_252 = arith.muli %parallel_loop3A_250, %parallel_loop3A_251 : i32
        %parallel_loop3A_253 = arith.index_cast %parallel_loop3A_252 : i32 to index
        %parallel_loop3A_254 = tpu.vector_load %arg8[%parallel_loop3A_253] {strides = array<i32>} : memref<8000xf32, #tpu.memory_space<vmem>>, vector<16xf32>,
        %parallel_loop3A_255 = vector.bitcast %parallel_loop3A_254 : vector<16xf32> to vector<16xi32>
        %parallel_loop3A_256 = tpu.vector_load_idx %arg7[%parallel_loop3A_255] : memref<100000xf32, #tpu.memory_space<vmem>>[vector<16xi32>], vector<16xf32>,
        %parallel_loop3A_257 = arith.minimumf %parallel_loop3A_229, %parallel_loop3A_256 : vector<16xf32>
        %parallel_loop3A_258 = arith.maximumf %parallel_loop3A_230, %parallel_loop3A_256 : vector<16xf32>
        %parallel_loop3A_259 = arith.constant 4 : i32
        %parallel_loop3A_260 = arith.muli %parallel_loop3A_226, %parallel_loop3A_259 : i32
        %parallel_loop3A_261 = arith.constant 2 : i32
        %parallel_loop3A_262 = arith.addi %parallel_loop3A_260, %parallel_loop3A_261 : i32
        %parallel_loop3A_263 = arith.constant 16 : i32
        %parallel_loop3A_264 = arith.muli %parallel_loop3A_262, %parallel_loop3A_263 : i32
        %parallel_loop3A_265 = arith.index_cast %parallel_loop3A_264 : i32 to index
        %parallel_loop3A_266 = tpu.vector_load %arg8[%parallel_loop3A_265] {strides = array<i32>} : memref<8000xf32, #tpu.memory_space<vmem>>, vector<16xf32>,
        %parallel_loop3A_267 = vector.bitcast %parallel_loop3A_266 : vector<16xf32> to vector<16xi32>
        %parallel_loop3A_268 = tpu.vector_load_idx %arg7[%parallel_loop3A_267] : memref<100000xf32, #tpu.memory_space<vmem>>[vector<16xi32>], vector<16xf32>,
        %parallel_loop3A_269 = arith.minimumf %parallel_loop3A_231, %parallel_loop3A_268 : vector<16xf32>
        %parallel_loop3A_270 = arith.maximumf %parallel_loop3A_232, %parallel_loop3A_268 : vector<16xf32>
        %parallel_loop3A_271 = arith.constant 4 : i32
        %parallel_loop3A_272 = arith.muli %parallel_loop3A_226, %parallel_loop3A_271 : i32
        %parallel_loop3A_273 = arith.constant 3 : i32
        %parallel_loop3A_274 = arith.addi %parallel_loop3A_272, %parallel_loop3A_273 : i32
        %parallel_loop3A_275 = arith.constant 16 : i32
        %parallel_loop3A_276 = arith.muli %parallel_loop3A_274, %parallel_loop3A_275 : i32
        %parallel_loop3A_277 = arith.index_cast %parallel_loop3A_276 : i32 to index
        %parallel_loop3A_278 = tpu.vector_load %arg8[%parallel_loop3A_277] {strides = array<i32>} : memref<8000xf32, #tpu.memory_space<vmem>>, vector<16xf32>,
        %parallel_loop3A_279 = vector.bitcast %parallel_loop3A_278 : vector<16xf32> to vector<16xi32>
        %parallel_loop3A_280 = tpu.vector_load_idx %arg7[%parallel_loop3A_279] : memref<100000xf32, #tpu.memory_space<vmem>>[vector<16xi32>], vector<16xf32>,
        %parallel_loop3A_281 = arith.minimumf %parallel_loop3A_233, %parallel_loop3A_280 : vector<16xf32>
        %parallel_loop3A_282 = arith.maximumf %parallel_loop3A_234, %parallel_loop3A_280 : vector<16xf32>
        scf.yield %parallel_loop3A_245, %parallel_loop3A_246, %parallel_loop3A_257, %parallel_loop3A_258, %parallel_loop3A_269, %parallel_loop3A_270, %parallel_loop3A_281, %parallel_loop3A_282 : vector<16xf32>, vector<16xf32>, vector<16xf32>, vector<16xf32>, vector<16xf32>, vector<16xf32>, vector<16xf32>, vector<16xf32>
      } {sc.loop_unroll_factor = 4 : i64, sc.parallel_access}
      %add3A_192 = arith.constant 1 : i32
      %add3A_193 = arith.addi %mul3A_178, %add3A_192 : i32
      %dma_wait3A_194 = arith.constant 0 : i32
      %dma_wait3A_195 = tpu.memref_slice %arg3[%dma_wait3A_194] : memref<6400000xf32, #tpu.memory_space<hbm>> -> memref<8000xf32, #tpu.memory_space<hbm>>
      %dma_wait3A_196 = arith.constant 0 : i32
      %dma_wait3A_197 = tpu.memref_slice %arg3[%dma_wait3A_196] : memref<6400000xf32, #tpu.memory_space<hbm>> -> memref<8000xf32, #tpu.memory_space<hbm>>
      tpu.wait_dma2 semaphore(%arg16 : memref<!tpu.dma_semaphore, #tpu.memory_space<semaphore_mem>>) src(%dma_wait3A_197 : memref<8000xf32, #tpu.memory_space<hbm>>) dst(%arg9 : memref<8000xf32, #tpu.memory_space<vmem>>)
      %add3A_198 = arith.constant 2 : i32
      %add3A_199 = arith.addi %add3A_193, %add3A_198 : i32
      %lt3A_200 = arith.constant 25 : i32
      %lt3A_201 = arith.cmpi slt, %add3A_199, %lt3A_200 : i32
      %convert_element_type3A_202 = arith.extui %lt3A_201 : i1 to i32
      %cond3A_203 = arith.constant 0 : i32
      %cond3A_204 = arith.cmpi ne, %convert_element_type3A_202, %cond3A_203 : i32
      scf.if %cond3A_204 {
        %add3A_226 = arith.constant 2 : i32
        %add3A_227 = arith.addi %add3A_193, %add3A_226 : i32
        %mul3A_228 = arith.constant 8000 : i32
        %mul3A_229 = arith.muli %add3A_227, %mul3A_228 : i32
        %add3A_230 = arith.addi %mul3A_2, %mul3A_229 : i32
        %dma_start3A_231 = tpu.memref_slice %arg3[%add3A_230] : memref<6400000xf32, #tpu.memory_space<hbm>> -> memref<8000xf32, #tpu.memory_space<hbm>>
        %dma_start3A_232 = tpu.memref_slice %arg3[%add3A_230] : memref<6400000xf32, #tpu.memory_space<hbm>> -> memref<8000xf32, #tpu.memory_space<hbm>>
        tpu.enqueue_dma source(%dma_start3A_232 : memref<8000xf32, #tpu.memory_space<hbm>>) target(%arg8 : memref<8000xf32, #tpu.memory_space<vmem>>) target_semaphore(%arg15 : memref<!tpu.dma_semaphore, #tpu.memory_space<semaphore_mem>>)
      } else {
      }
      %parallel_loop3A_205 = arith.constant 0 : i32
      %parallel_loop3A_206 = arith.constant 125 : i32
      %parallel_loop3A_207 = arith.constant 1 : i32
      %parallel_loop3A_208:8 = scf.for %parallel_loop3A_226 = %parallel_loop3A_205 to %parallel_loop3A_206 step %parallel_loop3A_207 iter_args(%parallel_loop3A_227 = %parallel_loop3A_191#0, %parallel_loop3A_228 = %parallel_loop3A_191#1, %parallel_loop3A_229 = %parallel_loop3A_191#2, %parallel_loop3A_230 = %parallel_loop3A_191#3, %parallel_loop3A_231 = %parallel_loop3A_191#4, %parallel_loop3A_232 = %parallel_loop3A_191#5, %parallel_loop3A_233 = %parallel_loop3A_191#6, %parallel_loop3A_234 = %parallel_loop3A_191#7) -> (vector<16xf32>, vector<16xf32>, vector<16xf32>, vector<16xf32>, vector<16xf32>, vector<16xf32>, vector<16xf32>, vector<16xf32>)  : i32 {
        %parallel_loop3A_235 = arith.constant 4 : i32
        %parallel_loop3A_236 = arith.muli %parallel_loop3A_226, %parallel_loop3A_235 : i32
        %parallel_loop3A_237 = arith.constant 0 : i32
        %parallel_loop3A_238 = arith.addi %parallel_loop3A_236, %parallel_loop3A_237 : i32
        %parallel_loop3A_239 = arith.constant 16 : i32
        %parallel_loop3A_240 = arith.muli %parallel_loop3A_238, %parallel_loop3A_239 : i32
        %parallel_loop3A_241 = arith.index_cast %parallel_loop3A_240 : i32 to index
        %parallel_loop3A_242 = tpu.vector_load %arg9[%parallel_loop3A_241] {strides = array<i32>} : memref<8000xf32, #tpu.memory_space<vmem>>, vector<16xf32>,
        %parallel_loop3A_243 = vector.bitcast %parallel_loop3A_242 : vector<16xf32> to vector<16xi32>
        %parallel_loop3A_244 = tpu.vector_load_idx %arg7[%parallel_loop3A_243] : memref<100000xf32, #tpu.memory_space<vmem>>[vector<16xi32>], vector<16xf32>,
        %parallel_loop3A_245 = arith.minimumf %parallel_loop3A_227, %parallel_loop3A_244 : vector<16xf32>
        %parallel_loop3A_246 = arith.maximumf %parallel_loop3A_228, %parallel_loop3A_244 : vector<16xf32>
        %parallel_loop3A_247 = arith.constant 4 : i32
        %parallel_loop3A_248 = arith.muli %parallel_loop3A_226, %parallel_loop3A_247 : i32
        %parallel_loop3A_249 = arith.constant 1 : i32
        %parallel_loop3A_250 = arith.addi %parallel_loop3A_248, %parallel_loop3A_249 : i32
        %parallel_loop3A_251 = arith.constant 16 : i32
        %parallel_loop3A_252 = arith.muli %parallel_loop3A_250, %parallel_loop3A_251 : i32
        %parallel_loop3A_253 = arith.index_cast %parallel_loop3A_252 : i32 to index
        %parallel_loop3A_254 = tpu.vector_load %arg9[%parallel_loop3A_253] {strides = array<i32>} : memref<8000xf32, #tpu.memory_space<vmem>>, vector<16xf32>,
        %parallel_loop3A_255 = vector.bitcast %parallel_loop3A_254 : vector<16xf32> to vector<16xi32>
        %parallel_loop3A_256 = tpu.vector_load_idx %arg7[%parallel_loop3A_255] : memref<100000xf32, #tpu.memory_space<vmem>>[vector<16xi32>], vector<16xf32>,
        %parallel_loop3A_257 = arith.minimumf %parallel_loop3A_229, %parallel_loop3A_256 : vector<16xf32>
        %parallel_loop3A_258 = arith.maximumf %parallel_loop3A_230, %parallel_loop3A_256 : vector<16xf32>
        %parallel_loop3A_259 = arith.constant 4 : i32
        %parallel_loop3A_260 = arith.muli %parallel_loop3A_226, %parallel_loop3A_259 : i32
        %parallel_loop3A_261 = arith.constant 2 : i32
        %parallel_loop3A_262 = arith.addi %parallel_loop3A_260, %parallel_loop3A_261 : i32
        %parallel_loop3A_263 = arith.constant 16 : i32
        %parallel_loop3A_264 = arith.muli %parallel_loop3A_262, %parallel_loop3A_263 : i32
        %parallel_loop3A_265 = arith.index_cast %parallel_loop3A_264 : i32 to index
        %parallel_loop3A_266 = tpu.vector_load %arg9[%parallel_loop3A_265] {strides = array<i32>} : memref<8000xf32, #tpu.memory_space<vmem>>, vector<16xf32>,
        %parallel_loop3A_267 = vector.bitcast %parallel_loop3A_266 : vector<16xf32> to vector<16xi32>
        %parallel_loop3A_268 = tpu.vector_load_idx %arg7[%parallel_loop3A_267] : memref<100000xf32, #tpu.memory_space<vmem>>[vector<16xi32>], vector<16xf32>,
        %parallel_loop3A_269 = arith.minimumf %parallel_loop3A_231, %parallel_loop3A_268 : vector<16xf32>
        %parallel_loop3A_270 = arith.maximumf %parallel_loop3A_232, %parallel_loop3A_268 : vector<16xf32>
        %parallel_loop3A_271 = arith.constant 4 : i32
        %parallel_loop3A_272 = arith.muli %parallel_loop3A_226, %parallel_loop3A_271 : i32
        %parallel_loop3A_273 = arith.constant 3 : i32
        %parallel_loop3A_274 = arith.addi %parallel_loop3A_272, %parallel_loop3A_273 : i32
        %parallel_loop3A_275 = arith.constant 16 : i32
        %parallel_loop3A_276 = arith.muli %parallel_loop3A_274, %parallel_loop3A_275 : i32
        %parallel_loop3A_277 = arith.index_cast %parallel_loop3A_276 : i32 to index
        %parallel_loop3A_278 = tpu.vector_load %arg9[%parallel_loop3A_277] {strides = array<i32>} : memref<8000xf32, #tpu.memory_space<vmem>>, vector<16xf32>,
        %parallel_loop3A_279 = vector.bitcast %parallel_loop3A_278 : vector<16xf32> to vector<16xi32>
        %parallel_loop3A_280 = tpu.vector_load_idx %arg7[%parallel_loop3A_279] : memref<100000xf32, #tpu.memory_space<vmem>>[vector<16xi32>], vector<16xf32>,
        %parallel_loop3A_281 = arith.minimumf %parallel_loop3A_233, %parallel_loop3A_280 : vector<16xf32>
        %parallel_loop3A_282 = arith.maximumf %parallel_loop3A_234, %parallel_loop3A_280 : vector<16xf32>
        scf.yield %parallel_loop3A_245, %parallel_loop3A_246, %parallel_loop3A_257, %parallel_loop3A_258, %parallel_loop3A_269, %parallel_loop3A_270, %parallel_loop3A_281, %parallel_loop3A_282 : vector<16xf32>, vector<16xf32>, vector<16xf32>, vector<16xf32>, vector<16xf32>, vector<16xf32>, vector<16xf32>, vector<16xf32>
      } {sc.loop_unroll_factor = 4 : i64, sc.parallel_access}
      %add3A_209 = arith.constant 2 : i32
      %add3A_210 = arith.addi %mul3A_178, %add3A_209 : i32
      %dma_wait3A_211 = arith.constant 0 : i32
      %dma_wait3A_212 = tpu.memref_slice %arg3[%dma_wait3A_211] : memref<6400000xf32, #tpu.memory_space<hbm>> -> memref<8000xf32, #tpu.memory_space<hbm>>
      %dma_wait3A_213 = arith.constant 0 : i32
      %dma_wait3A_214 = tpu.memref_slice %arg3[%dma_wait3A_213] : memref<6400000xf32, #tpu.memory_space<hbm>> -> memref<8000xf32, #tpu.memory_space<hbm>>
      tpu.wait_dma2 semaphore(%arg17 : memref<!tpu.dma_semaphore, #tpu.memory_space<semaphore_mem>>) src(%dma_wait3A_214 : memref<8000xf32, #tpu.memory_space<hbm>>) dst(%arg10 : memref<8000xf32, #tpu.memory_space<vmem>>)
      %add3A_215 = arith.constant 2 : i32
      %add3A_216 = arith.addi %add3A_210, %add3A_215 : i32
      %lt3A_217 = arith.constant 25 : i32
      %lt3A_218 = arith.cmpi slt, %add3A_216, %lt3A_217 : i32
      %convert_element_type3A_219 = arith.extui %lt3A_218 : i1 to i32
      %cond3A_220 = arith.constant 0 : i32
      %cond3A_221 = arith.cmpi ne, %convert_element_type3A_219, %cond3A_220 : i32
      scf.if %cond3A_221 {
        %add3A_226 = arith.constant 2 : i32
        %add3A_227 = arith.addi %add3A_210, %add3A_226 : i32
        %mul3A_228 = arith.constant 8000 : i32
        %mul3A_229 = arith.muli %add3A_227, %mul3A_228 : i32
        %add3A_230 = arith.addi %mul3A_2, %mul3A_229 : i32
        %dma_start3A_231 = tpu.memref_slice %arg3[%add3A_230] : memref<6400000xf32, #tpu.memory_space<hbm>> -> memref<8000xf32, #tpu.memory_space<hbm>>
        %dma_start3A_232 = tpu.memref_slice %arg3[%add3A_230] : memref<6400000xf32, #tpu.memory_space<hbm>> -> memref<8000xf32, #tpu.memory_space<hbm>>
        tpu.enqueue_dma source(%dma_start3A_232 : memref<8000xf32, #tpu.memory_space<hbm>>) target(%arg9 : memref<8000xf32, #tpu.memory_space<vmem>>) target_semaphore(%arg16 : memref<!tpu.dma_semaphore, #tpu.memory_space<semaphore_mem>>)
      } else {
      }
      %parallel_loop3A_222 = arith.constant 0 : i32
      %parallel_loop3A_223 = arith.constant 125 : i32
      %parallel_loop3A_224 = arith.constant 1 : i32
      %parallel_loop3A_225:8 = scf.for %parallel_loop3A_226 = %parallel_loop3A_222 to %parallel_loop3A_223 step %parallel_loop3A_224 iter_args(%parallel_loop3A_227 = %parallel_loop3A_208#0, %parallel_loop3A_228 = %parallel_loop3A_208#1, %parallel_loop3A_229 = %parallel_loop3A_208#2, %parallel_loop3A_230 = %parallel_loop3A_208#3, %parallel_loop3A_231 = %parallel_loop3A_208#4, %parallel_loop3A_232 = %parallel_loop3A_208#5, %parallel_loop3A_233 = %parallel_loop3A_208#6, %parallel_loop3A_234 = %parallel_loop3A_208#7) -> (vector<16xf32>, vector<16xf32>, vector<16xf32>, vector<16xf32>, vector<16xf32>, vector<16xf32>, vector<16xf32>, vector<16xf32>)  : i32 {
        %parallel_loop3A_235 = arith.constant 4 : i32
        %parallel_loop3A_236 = arith.muli %parallel_loop3A_226, %parallel_loop3A_235 : i32
        %parallel_loop3A_237 = arith.constant 0 : i32
        %parallel_loop3A_238 = arith.addi %parallel_loop3A_236, %parallel_loop3A_237 : i32
        %parallel_loop3A_239 = arith.constant 16 : i32
        %parallel_loop3A_240 = arith.muli %parallel_loop3A_238, %parallel_loop3A_239 : i32
        %parallel_loop3A_241 = arith.index_cast %parallel_loop3A_240 : i32 to index
        %parallel_loop3A_242 = tpu.vector_load %arg10[%parallel_loop3A_241] {strides = array<i32>} : memref<8000xf32, #tpu.memory_space<vmem>>, vector<16xf32>,
        %parallel_loop3A_243 = vector.bitcast %parallel_loop3A_242 : vector<16xf32> to vector<16xi32>
        %parallel_loop3A_244 = tpu.vector_load_idx %arg7[%parallel_loop3A_243] : memref<100000xf32, #tpu.memory_space<vmem>>[vector<16xi32>], vector<16xf32>,
        %parallel_loop3A_245 = arith.minimumf %parallel_loop3A_227, %parallel_loop3A_244 : vector<16xf32>
        %parallel_loop3A_246 = arith.maximumf %parallel_loop3A_228, %parallel_loop3A_244 : vector<16xf32>
        %parallel_loop3A_247 = arith.constant 4 : i32
        %parallel_loop3A_248 = arith.muli %parallel_loop3A_226, %parallel_loop3A_247 : i32
        %parallel_loop3A_249 = arith.constant 1 : i32
        %parallel_loop3A_250 = arith.addi %parallel_loop3A_248, %parallel_loop3A_249 : i32
        %parallel_loop3A_251 = arith.constant 16 : i32
        %parallel_loop3A_252 = arith.muli %parallel_loop3A_250, %parallel_loop3A_251 : i32
        %parallel_loop3A_253 = arith.index_cast %parallel_loop3A_252 : i32 to index
        %parallel_loop3A_254 = tpu.vector_load %arg10[%parallel_loop3A_253] {strides = array<i32>} : memref<8000xf32, #tpu.memory_space<vmem>>, vector<16xf32>,
        %parallel_loop3A_255 = vector.bitcast %parallel_loop3A_254 : vector<16xf32> to vector<16xi32>
        %parallel_loop3A_256 = tpu.vector_load_idx %arg7[%parallel_loop3A_255] : memref<100000xf32, #tpu.memory_space<vmem>>[vector<16xi32>], vector<16xf32>,
        %parallel_loop3A_257 = arith.minimumf %parallel_loop3A_229, %parallel_loop3A_256 : vector<16xf32>
        %parallel_loop3A_258 = arith.maximumf %parallel_loop3A_230, %parallel_loop3A_256 : vector<16xf32>
        %parallel_loop3A_259 = arith.constant 4 : i32
        %parallel_loop3A_260 = arith.muli %parallel_loop3A_226, %parallel_loop3A_259 : i32
        %parallel_loop3A_261 = arith.constant 2 : i32
        %parallel_loop3A_262 = arith.addi %parallel_loop3A_260, %parallel_loop3A_261 : i32
        %parallel_loop3A_263 = arith.constant 16 : i32
        %parallel_loop3A_264 = arith.muli %parallel_loop3A_262, %parallel_loop3A_263 : i32
        %parallel_loop3A_265 = arith.index_cast %parallel_loop3A_264 : i32 to index
        %parallel_loop3A_266 = tpu.vector_load %arg10[%parallel_loop3A_265] {strides = array<i32>} : memref<8000xf32, #tpu.memory_space<vmem>>, vector<16xf32>,
        %parallel_loop3A_267 = vector.bitcast %parallel_loop3A_266 : vector<16xf32> to vector<16xi32>
        %parallel_loop3A_268 = tpu.vector_load_idx %arg7[%parallel_loop3A_267] : memref<100000xf32, #tpu.memory_space<vmem>>[vector<16xi32>], vector<16xf32>,
        %parallel_loop3A_269 = arith.minimumf %parallel_loop3A_231, %parallel_loop3A_268 : vector<16xf32>
        %parallel_loop3A_270 = arith.maximumf %parallel_loop3A_232, %parallel_loop3A_268 : vector<16xf32>
        %parallel_loop3A_271 = arith.constant 4 : i32
        %parallel_loop3A_272 = arith.muli %parallel_loop3A_226, %parallel_loop3A_271 : i32
        %parallel_loop3A_273 = arith.constant 3 : i32
        %parallel_loop3A_274 = arith.addi %parallel_loop3A_272, %parallel_loop3A_273 : i32
        %parallel_loop3A_275 = arith.constant 16 : i32
        %parallel_loop3A_276 = arith.muli %parallel_loop3A_274, %parallel_loop3A_275 : i32
        %parallel_loop3A_277 = arith.index_cast %parallel_loop3A_276 : i32 to index
        %parallel_loop3A_278 = tpu.vector_load %arg10[%parallel_loop3A_277] {strides = array<i32>} : memref<8000xf32, #tpu.memory_space<vmem>>, vector<16xf32>,
        %parallel_loop3A_279 = vector.bitcast %parallel_loop3A_278 : vector<16xf32> to vector<16xi32>
        %parallel_loop3A_280 = tpu.vector_load_idx %arg7[%parallel_loop3A_279] : memref<100000xf32, #tpu.memory_space<vmem>>[vector<16xi32>], vector<16xf32>,
        %parallel_loop3A_281 = arith.minimumf %parallel_loop3A_233, %parallel_loop3A_280 : vector<16xf32>
        %parallel_loop3A_282 = arith.maximumf %parallel_loop3A_234, %parallel_loop3A_280 : vector<16xf32>
        scf.yield %parallel_loop3A_245, %parallel_loop3A_246, %parallel_loop3A_257, %parallel_loop3A_258, %parallel_loop3A_269, %parallel_loop3A_270, %parallel_loop3A_281, %parallel_loop3A_282 : vector<16xf32>, vector<16xf32>, vector<16xf32>, vector<16xf32>, vector<16xf32>, vector<16xf32>, vector<16xf32>, vector<16xf32>
      } {sc.loop_unroll_factor = 4 : i64, sc.parallel_access}
      scf.yield %parallel_loop3A_225#0, %parallel_loop3A_225#1, %parallel_loop3A_225#2, %parallel_loop3A_225#3, %parallel_loop3A_225#4, %parallel_loop3A_225#5, %parallel_loop3A_225#6, %parallel_loop3A_225#7 : vector<16xf32>, vector<16xf32>, vector<16xf32>, vector<16xf32>, vector<16xf32>, vector<16xf32>, vector<16xf32>, vector<16xf32>
    }
    %scan3A_24 = arith.constant 8 : i32
    %dma_wait3A = arith.constant 0 : i32
    %dma_wait3A_25 = tpu.memref_slice %arg3[%dma_wait3A] : memref<6400000xf32, #tpu.memory_space<hbm>> -> memref<8000xf32, #tpu.memory_space<hbm>>
    %dma_wait3A_26 = arith.constant 0 : i32
    %dma_wait3A_27 = tpu.memref_slice %arg3[%dma_wait3A_26] : memref<6400000xf32, #tpu.memory_space<hbm>> -> memref<8000xf32, #tpu.memory_space<hbm>>
    tpu.wait_dma2 semaphore(%arg15 : memref<!tpu.dma_semaphore, #tpu.memory_space<semaphore_mem>>) src(%dma_wait3A_27 : memref<8000xf32, #tpu.memory_space<hbm>>) dst(%arg8 : memref<8000xf32, #tpu.memory_space<vmem>>)
    %parallel_loop3A = arith.constant 0 : i32
    %parallel_loop3A_28 = arith.constant 125 : i32
    %parallel_loop3A_29 = arith.constant 1 : i32
    %parallel_loop3A_30:8 = scf.for %parallel_loop3A_168 = %parallel_loop3A to %parallel_loop3A_28 step %parallel_loop3A_29 iter_args(%parallel_loop3A_169 = %scan3A_23#0, %parallel_loop3A_170 = %scan3A_23#1, %parallel_loop3A_171 = %scan3A_23#2, %parallel_loop3A_172 = %scan3A_23#3, %parallel_loop3A_173 = %scan3A_23#4, %parallel_loop3A_174 = %scan3A_23#5, %parallel_loop3A_175 = %scan3A_23#6, %parallel_loop3A_176 = %scan3A_23#7) -> (vector<16xf32>, vector<16xf32>, vector<16xf32>, vector<16xf32>, vector<16xf32>, vector<16xf32>, vector<16xf32>, vector<16xf32>)  : i32 {
      %parallel_loop3A_177 = arith.constant 4 : i32
      %parallel_loop3A_178 = arith.muli %parallel_loop3A_168, %parallel_loop3A_177 : i32
      %parallel_loop3A_179 = arith.constant 0 : i32
      %parallel_loop3A_180 = arith.addi %parallel_loop3A_178, %parallel_loop3A_179 : i32
      %parallel_loop3A_181 = arith.constant 16 : i32
      %parallel_loop3A_182 = arith.muli %parallel_loop3A_180, %parallel_loop3A_181 : i32
      %parallel_loop3A_183 = arith.index_cast %parallel_loop3A_182 : i32 to index
      %parallel_loop3A_184 = tpu.vector_load %arg8[%parallel_loop3A_183] {strides = array<i32>} : memref<8000xf32, #tpu.memory_space<vmem>>, vector<16xf32>,
      %parallel_loop3A_185 = vector.bitcast %parallel_loop3A_184 : vector<16xf32> to vector<16xi32>
      %parallel_loop3A_186 = tpu.vector_load_idx %arg7[%parallel_loop3A_185] : memref<100000xf32, #tpu.memory_space<vmem>>[vector<16xi32>], vector<16xf32>,
      %parallel_loop3A_187 = arith.minimumf %parallel_loop3A_169, %parallel_loop3A_186 : vector<16xf32>
      %parallel_loop3A_188 = arith.maximumf %parallel_loop3A_170, %parallel_loop3A_186 : vector<16xf32>
      %parallel_loop3A_189 = arith.constant 4 : i32
      %parallel_loop3A_190 = arith.muli %parallel_loop3A_168, %parallel_loop3A_189 : i32
      %parallel_loop3A_191 = arith.constant 1 : i32
      %parallel_loop3A_192 = arith.addi %parallel_loop3A_190, %parallel_loop3A_191 : i32
      %parallel_loop3A_193 = arith.constant 16 : i32
      %parallel_loop3A_194 = arith.muli %parallel_loop3A_192, %parallel_loop3A_193 : i32
      %parallel_loop3A_195 = arith.index_cast %parallel_loop3A_194 : i32 to index
      %parallel_loop3A_196 = tpu.vector_load %arg8[%parallel_loop3A_195] {strides = array<i32>} : memref<8000xf32, #tpu.memory_space<vmem>>, vector<16xf32>,
      %parallel_loop3A_197 = vector.bitcast %parallel_loop3A_196 : vector<16xf32> to vector<16xi32>
      %parallel_loop3A_198 = tpu.vector_load_idx %arg7[%parallel_loop3A_197] : memref<100000xf32, #tpu.memory_space<vmem>>[vector<16xi32>], vector<16xf32>,
      %parallel_loop3A_199 = arith.minimumf %parallel_loop3A_171, %parallel_loop3A_198 : vector<16xf32>
      %parallel_loop3A_200 = arith.maximumf %parallel_loop3A_172, %parallel_loop3A_198 : vector<16xf32>
      %parallel_loop3A_201 = arith.constant 4 : i32
      %parallel_loop3A_202 = arith.muli %parallel_loop3A_168, %parallel_loop3A_201 : i32
      %parallel_loop3A_203 = arith.constant 2 : i32
      %parallel_loop3A_204 = arith.addi %parallel_loop3A_202, %parallel_loop3A_203 : i32
      %parallel_loop3A_205 = arith.constant 16 : i32
      %parallel_loop3A_206 = arith.muli %parallel_loop3A_204, %parallel_loop3A_205 : i32
      %parallel_loop3A_207 = arith.index_cast %parallel_loop3A_206 : i32 to index
      %parallel_loop3A_208 = tpu.vector_load %arg8[%parallel_loop3A_207] {strides = array<i32>} : memref<8000xf32, #tpu.memory_space<vmem>>, vector<16xf32>,
      %parallel_loop3A_209 = vector.bitcast %parallel_loop3A_208 : vector<16xf32> to vector<16xi32>
      %parallel_loop3A_210 = tpu.vector_load_idx %arg7[%parallel_loop3A_209] : memref<100000xf32, #tpu.memory_space<vmem>>[vector<16xi32>], vector<16xf32>,
      %parallel_loop3A_211 = arith.minimumf %parallel_loop3A_173, %parallel_loop3A_210 : vector<16xf32>
      %parallel_loop3A_212 = arith.maximumf %parallel_loop3A_174, %parallel_loop3A_210 : vector<16xf32>
      %parallel_loop3A_213 = arith.constant 4 : i32
      %parallel_loop3A_214 = arith.muli %parallel_loop3A_168, %parallel_loop3A_213 : i32
      %parallel_loop3A_215 = arith.constant 3 : i32
      %parallel_loop3A_216 = arith.addi %parallel_loop3A_214, %parallel_loop3A_215 : i32
      %parallel_loop3A_217 = arith.constant 16 : i32
      %parallel_loop3A_218 = arith.muli %parallel_loop3A_216, %parallel_loop3A_217 : i32
      %parallel_loop3A_219 = arith.index_cast %parallel_loop3A_218 : i32 to index
      %parallel_loop3A_220 = tpu.vector_load %arg8[%parallel_loop3A_219] {strides = array<i32>} : memref<8000xf32, #tpu.memory_space<vmem>>, vector<16xf32>,
      %parallel_loop3A_221 = vector.bitcast %parallel_loop3A_220 : vector<16xf32> to vector<16xi32>
      %parallel_loop3A_222 = tpu.vector_load_idx %arg7[%parallel_loop3A_221] : memref<100000xf32, #tpu.memory_space<vmem>>[vector<16xi32>], vector<16xf32>,
      %parallel_loop3A_223 = arith.minimumf %parallel_loop3A_175, %parallel_loop3A_222 : vector<16xf32>
      %parallel_loop3A_224 = arith.maximumf %parallel_loop3A_176, %parallel_loop3A_222 : vector<16xf32>
      scf.yield %parallel_loop3A_187, %parallel_loop3A_188, %parallel_loop3A_199, %parallel_loop3A_200, %parallel_loop3A_211, %parallel_loop3A_212, %parallel_loop3A_223, %parallel_loop3A_224 : vector<16xf32>, vector<16xf32>, vector<16xf32>, vector<16xf32>, vector<16xf32>, vector<16xf32>, vector<16xf32>, vector<16xf32>
    } {sc.loop_unroll_factor = 4 : i64, sc.parallel_access}
    %min3A = arith.minimumf %parallel_loop3A_30#0, %parallel_loop3A_30#2 : vector<16xf32>
    %min3A_31 = arith.minimumf %parallel_loop3A_30#4, %parallel_loop3A_30#6 : vector<16xf32>
    %min3A_32 = arith.minimumf %min3A, %min3A_31 : vector<16xf32>
    %max3A = arith.maximumf %parallel_loop3A_30#1, %parallel_loop3A_30#3 : vector<16xf32>
    %max3A_33 = arith.maximumf %parallel_loop3A_30#5, %parallel_loop3A_30#7 : vector<16xf32>
    %max3A_34 = arith.maximumf %max3A, %max3A_33 : vector<16xf32>
    %get3A = arith.constant 0 : index
    %get3A_35 = tpu.vector_load %arg13[%get3A] {strides = array<i32>} : memref<32xi32, #tpu.memory_space<vmem>>, vector<16xi32>,
    %get3A_36 = arith.constant 16 : index
    %get3A_37 = tpu.vector_load %arg13[%get3A_36] {strides = array<i32>} : memref<32xi32, #tpu.memory_space<vmem>>, vector<16xi32>,
    %gather3A = tpu.vector_load_idx %arg7[%get3A_35] : memref<100000xf32, #tpu.memory_space<vmem>>[vector<16xi32>], vector<16xf32>,
    %ge3A = arith.constant 0 : i32
    %ge3A_38 = vector.broadcast %ge3A : i32 to vector<16xi32>
    %ge3A_39 = arith.cmpi sge, %get3A_37, %ge3A_38 : vector<16xi32>
    %broadcast_in_dim3A_40 = arith.constant 0 : i32
    %broadcast_in_dim3A_41 = vector.broadcast %broadcast_in_dim3A_40 : i32 to vector<16xi32>
    %select_n3A = arith.select %ge3A_39, %get3A_37, %broadcast_in_dim3A_41 : vector<16xi1>, vector<16xi32>
    %gather3A_42 = tpu.vector_load_idx %arg7[%select_n3A] : memref<100000xf32, #tpu.memory_space<vmem>>[vector<16xi32>], vector<16xf32>,
    %broadcast_in_dim3A_43 = arith.constant 0.000000e+00 : f32
    %broadcast_in_dim3A_44 = vector.broadcast %broadcast_in_dim3A_43 : f32 to vector<16xf32>
    %select_n3A_45 = arith.select %ge3A_39, %gather3A_42, %broadcast_in_dim3A_44 : vector<16xi1>, vector<16xf32>
    %swap3A = arith.constant 0 : index
    %swap3A_46 = tpu.vector_load %arg12[%swap3A] {strides = array<i32>} : memref<48xf32, #tpu.memory_space<vmem>>, vector<16xf32>,
    tpu.vector_store %arg12[%swap3A], %min3A_32 {strides = array<i32>} : memref<48xf32, #tpu.memory_space<vmem>>, vector<16xf32>,
    %swap3A_47 = arith.constant 16 : index
    %swap3A_48 = tpu.vector_load %arg12[%swap3A_47] {strides = array<i32>} : memref<48xf32, #tpu.memory_space<vmem>>, vector<16xf32>,
    tpu.vector_store %arg12[%swap3A_47], %max3A_34 {strides = array<i32>} : memref<48xf32, #tpu.memory_space<vmem>>, vector<16xf32>,
    %add3A_49 = arith.addf %min3A_32, %max3A_34 : vector<16xf32>
    %mul3A_50 = arith.constant 3.700000e+00 : f32
    %mul3A_51 = vector.broadcast %mul3A_50 : f32 to vector<16xf32>
    %mul3A_52 = arith.mulf %gather3A, %mul3A_51 : vector<16xf32>
    %add3A_53 = arith.addf %add3A_49, %mul3A_52 : vector<16xf32>
    %mul3A_54 = arith.constant 1.300000e+00 : f32
    %mul3A_55 = vector.broadcast %mul3A_54 : f32 to vector<16xf32>
    %mul3A_56 = arith.mulf %select_n3A_45, %mul3A_55 : vector<16xf32>
    %add3A_57 = arith.addf %add3A_53, %mul3A_56 : vector<16xf32>
    %add3A_58 = arith.constant 1.234560e+02 : f32
    %add3A_59 = vector.broadcast %add3A_58 : f32 to vector<16xf32>
    %add3A_60 = arith.addf %add3A_57, %add3A_59 : vector<16xf32>
    %swap3A_61 = arith.constant 32 : index
    %swap3A_62 = tpu.vector_load %arg12[%swap3A_61] {strides = array<i32>} : memref<48xf32, #tpu.memory_space<vmem>>, vector<16xf32>,
    tpu.vector_store %arg12[%swap3A_61], %add3A_60 {strides = array<i32>} : memref<48xf32, #tpu.memory_space<vmem>>, vector<16xf32>,
    %mul3A_63 = arith.constant 48 : i32
    %mul3A_64 = arith.muli %add3A, %mul3A_63 : i32
    "tpu.region"() ({
      %run_scoped3A = tpu.sem_alloc : memref<!tpu.dma_semaphore, #tpu.memory_space<semaphore_mem>>
      %dma_start3A_168 = tpu.memref_slice %arg6[%mul3A_64] : memref<1536xf32, #tpu.memory_space<hbm>> -> memref<48xf32, #tpu.memory_space<hbm>>
      %dma_start3A_169 = tpu.memref_slice %arg6[%mul3A_64] : memref<1536xf32, #tpu.memory_space<hbm>> -> memref<48xf32, #tpu.memory_space<hbm>>
      tpu.enqueue_dma source(%arg12 : memref<48xf32, #tpu.memory_space<vmem>>) target(%dma_start3A_169 : memref<48xf32, #tpu.memory_space<hbm>>) target_semaphore(%run_scoped3A : memref<!tpu.dma_semaphore, #tpu.memory_space<semaphore_mem>>)
      %dma_wait3A_170 = tpu.memref_slice %arg6[%mul3A_64] : memref<1536xf32, #tpu.memory_space<hbm>> -> memref<48xf32, #tpu.memory_space<hbm>>
      %dma_wait3A_171 = tpu.memref_slice %arg6[%mul3A_64] : memref<1536xf32, #tpu.memory_space<hbm>> -> memref<48xf32, #tpu.memory_space<hbm>>
      tpu.wait_dma2 semaphore(%run_scoped3A : memref<!tpu.dma_semaphore, #tpu.memory_space<semaphore_mem>>) src(%arg12 : memref<48xf32, #tpu.memory_space<vmem>>) dst(%dma_wait3A_171 : memref<48xf32, #tpu.memory_space<hbm>>)
      tpu.yield
    }) : () -> ()
    %add3A_65 = arith.constant 0 : i32
    %add3A_66 = arith.addi %mul3A_2, %add3A_65 : i32
    %dma_start3A_67 = tpu.memref_slice %arg3[%add3A_66] : memref<6400000xf32, #tpu.memory_space<hbm>> -> memref<8000xf32, #tpu.memory_space<hbm>>
    %dma_start3A_68 = tpu.memref_slice %arg3[%add3A_66] : memref<6400000xf32, #tpu.memory_space<hbm>> -> memref<8000xf32, #tpu.memory_space<hbm>>
    tpu.enqueue_dma source(%dma_start3A_68 : memref<8000xf32, #tpu.memory_space<hbm>>) target(%arg8 : memref<8000xf32, #tpu.memory_space<vmem>>) target_semaphore(%arg15 : memref<!tpu.dma_semaphore, #tpu.memory_space<semaphore_mem>>)
    %add3A_69 = arith.constant 8000 : i32
    %add3A_70 = arith.addi %mul3A_2, %add3A_69 : i32
    %dma_start3A_71 = tpu.memref_slice %arg3[%add3A_70] : memref<6400000xf32, #tpu.memory_space<hbm>> -> memref<8000xf32, #tpu.memory_space<hbm>>
    %dma_start3A_72 = tpu.memref_slice %arg3[%add3A_70] : memref<6400000xf32, #tpu.memory_space<hbm>> -> memref<8000xf32, #tpu.memory_space<hbm>>
    tpu.enqueue_dma source(%dma_start3A_72 : memref<8000xf32, #tpu.memory_space<hbm>>) target(%arg9 : memref<8000xf32, #tpu.memory_space<vmem>>) target_semaphore(%arg16 : memref<!tpu.dma_semaphore, #tpu.memory_space<semaphore_mem>>)
    %add3A_73 = arith.constant 16000 : i32
    %add3A_74 = arith.addi %mul3A_2, %add3A_73 : i32
    %dma_start3A_75 = tpu.memref_slice %arg3[%add3A_74] : memref<6400000xf32, #tpu.memory_space<hbm>> -> memref<8000xf32, #tpu.memory_space<hbm>>
    %dma_start3A_76 = tpu.memref_slice %arg3[%add3A_74] : memref<6400000xf32, #tpu.memory_space<hbm>> -> memref<8000xf32, #tpu.memory_space<hbm>>
    tpu.enqueue_dma source(%dma_start3A_76 : memref<8000xf32, #tpu.memory_space<hbm>>) target(%arg10 : memref<8000xf32, #tpu.memory_space<vmem>>) target_semaphore(%arg17 : memref<!tpu.dma_semaphore, #tpu.memory_space<semaphore_mem>>)
    %while3A = arith.constant false
    %while3A_77 = scf.while (%while3A_168 = %while3A) : (i1) -> i1 {
      %not3A = arith.constant true
      %not3A_169 = arith.xori %while3A_168, %not3A : i1
      scf.condition(%not3A_169) %while3A_168 : i1
    } do {
    ^bb0(%while3A_168: i1):
      "tpu.region"() ({
        %run_scoped3A = tpu.sem_alloc : memref<!tpu.dma_semaphore, #tpu.memory_space<semaphore_mem>>
        tpu.enqueue_dma source(%arg6 : memref<1536xf32, #tpu.memory_space<hbm>>) target(%arg11 : memref<1536xf32, #tpu.memory_space<vmem>>) target_semaphore(%run_scoped3A : memref<!tpu.dma_semaphore, #tpu.memory_space<semaphore_mem>>)
        tpu.wait_dma2 semaphore(%run_scoped3A : memref<!tpu.dma_semaphore, #tpu.memory_space<semaphore_mem>>) src(%arg6 : memref<1536xf32, #tpu.memory_space<hbm>>) dst(%arg11 : memref<1536xf32, #tpu.memory_space<vmem>>)
        tpu.yield
      }) : () -> ()
      %scan3A_169 = arith.constant true
      %scan3A_170 = arith.constant 0 : i32
      %scan3A_171 = arith.constant 32 : i32
      %scan3A_172 = arith.addi %scan3A_170, %scan3A_171 : i32
      %scan3A_173 = arith.constant 1 : i32
      %scan3A_174 = scf.for %scan3A_176 = %scan3A_170 to %scan3A_172 step %scan3A_173 iter_args(%scan3A_177 = %scan3A_169) -> (i1)  : i32 {
        %mul3A_178 = arith.constant 48 : i32
        %mul3A_179 = arith.muli %scan3A_176, %mul3A_178 : i32
        %get3A_180 = arith.index_cast %mul3A_179 : i32 to index
        %get3A_181 = tpu.vector_load %arg11[%get3A_180] {strides = array<i32>} : memref<1536xf32, #tpu.memory_space<vmem>>, vector<16xf32>,
        %mul3A_182 = arith.constant 48 : i32
        %mul3A_183 = arith.muli %scan3A_176, %mul3A_182 : i32
        %add3A_184 = arith.constant 16 : i32
        %add3A_185 = arith.addi %mul3A_183, %add3A_184 : i32
        %get3A_186 = arith.index_cast %add3A_185 : i32 to index
        %get3A_187 = tpu.vector_load %arg11[%get3A_186] {strides = array<i32>} : memref<1536xf32, #tpu.memory_space<vmem>>, vector<16xf32>,
        %mul3A_188 = arith.constant 48 : i32
        %mul3A_189 = arith.muli %scan3A_176, %mul3A_188 : i32
        %add3A_190 = arith.constant 32 : i32
        %add3A_191 = arith.addi %mul3A_189, %add3A_190 : i32
        %get3A_192 = arith.index_cast %add3A_191 : i32 to index
        %get3A_193 = tpu.vector_load %arg11[%get3A_192] {strides = array<i32>} : memref<1536xf32, #tpu.memory_space<vmem>>, vector<16xf32>,
        %add3A_194 = arith.addf %get3A_181, %get3A_187 : vector<16xf32>
        %mul3A_195 = arith.constant 3.700000e+00 : f32
        %mul3A_196 = vector.broadcast %mul3A_195 : f32 to vector<16xf32>
        %mul3A_197 = arith.mulf %gather3A, %mul3A_196 : vector<16xf32>
        %add3A_198 = arith.addf %add3A_194, %mul3A_197 : vector<16xf32>
        %mul3A_199 = arith.constant 1.300000e+00 : f32
        %mul3A_200 = vector.broadcast %mul3A_199 : f32 to vector<16xf32>
        %mul3A_201 = arith.mulf %select_n3A_45, %mul3A_200 : vector<16xf32>
        %add3A_202 = arith.addf %add3A_198, %mul3A_201 : vector<16xf32>
        %add3A_203 = arith.constant 1.234560e+02 : f32
        %add3A_204 = vector.broadcast %add3A_203 : f32 to vector<16xf32>
        %add3A_205 = arith.addf %add3A_202, %add3A_204 : vector<16xf32>
        %eq3A = arith.cmpf oeq, %get3A_193, %add3A_205 : vector<16xf32>
        %reduce_and3A = arith.constant 1.000000e+00 : f32
        %reduce_and3A_206 = arith.constant 0.000000e+00 : f32
        %reduce_and3A_207 = vector.broadcast %reduce_and3A : f32 to vector<16xf32>
        %reduce_and3A_208 = vector.broadcast %reduce_and3A_206 : f32 to vector<16xf32>
        %reduce_and3A_209 = arith.select %eq3A, %reduce_and3A_207, %reduce_and3A_208 : vector<16xi1>, vector<16xf32>
        %reduce_and3A_210 = arith.constant true
        %reduce_and3A_211 = vector.broadcast %reduce_and3A_210 : i1 to vector<16xi1>
        %reduce_and3A_212 = tpu.scan <min>, %reduce_and3A_209 masked %reduce_and3A_211 : vector<16xf32>, vector<16xi1> -> vector<16xf32>
        %reduce_and3A_213 = vector.extract %reduce_and3A_212[15] : f32 from vector<16xf32>
        %reduce_and3A_214 = arith.constant 0.000000e+00 : f32
        %reduce_and3A_215 = arith.cmpf ogt, %reduce_and3A_213, %reduce_and3A_214 : f32
        %and3A = arith.andi %scan3A_177, %reduce_and3A_215 : i1
        scf.yield %and3A : i1
      }
      %scan3A_175 = arith.constant 32 : i32
      scf.yield %scan3A_174 : i1
    }
    %neg3A_78 = arith.constant 0.000000e+00 : f32
    %neg3A_79 = vector.broadcast %neg3A_78 : f32 to vector<16xf32>
    %neg3A_80 = arith.subf %neg3A_79, %broadcast_in_dim3A_8 : vector<16xf32>
    %scan3A_81 = arith.constant 0 : i32
    %scan3A_82 = arith.constant 32 : i32
    %scan3A_83 = arith.addi %scan3A_81, %scan3A_82 : i32
    %scan3A_84 = arith.constant 1 : i32
    %scan3A_85:2 = scf.for %scan3A_168 = %scan3A_81 to %scan3A_83 step %scan3A_84 iter_args(%scan3A_169 = %broadcast_in_dim3A_8, %scan3A_170 = %neg3A_80) -> (vector<16xf32>, vector<16xf32>)  : i32 {
      %mul3A_171 = arith.constant 48 : i32
      %mul3A_172 = arith.muli %scan3A_168, %mul3A_171 : i32
      %get3A_173 = arith.index_cast %mul3A_172 : i32 to index
      %get3A_174 = tpu.vector_load %arg11[%get3A_173] {strides = array<i32>} : memref<1536xf32, #tpu.memory_space<vmem>>, vector<16xf32>,
      %min3A_175 = arith.minimumf %scan3A_169, %get3A_174 : vector<16xf32>
      %mul3A_176 = arith.constant 48 : i32
      %mul3A_177 = arith.muli %scan3A_168, %mul3A_176 : i32
      %add3A_178 = arith.constant 16 : i32
      %add3A_179 = arith.addi %mul3A_177, %add3A_178 : i32
      %get3A_180 = arith.index_cast %add3A_179 : i32 to index
      %get3A_181 = tpu.vector_load %arg11[%get3A_180] {strides = array<i32>} : memref<1536xf32, #tpu.memory_space<vmem>>, vector<16xf32>,
      %max3A_182 = arith.maximumf %scan3A_170, %get3A_181 : vector<16xf32>
      scf.yield %min3A_175, %max3A_182 : vector<16xf32>, vector<16xf32>
    }
    %scan3A_86 = arith.constant 32 : i32
    %reduce_min3A = arith.constant true
    %reduce_min3A_87 = vector.broadcast %reduce_min3A : i1 to vector<16xi1>
    %reduce_min3A_88 = tpu.scan <min>, %scan3A_85#0 masked %reduce_min3A_87 : vector<16xf32>, vector<16xi1> -> vector<16xf32>
    %reduce_min3A_89 = vector.extract %reduce_min3A_88[15] : f32 from vector<16xf32>
    %broadcast_in_dim3A_90 = vector.broadcast %reduce_min3A_89 : f32 to vector<16xf32>
    %reduce_max3A = arith.constant true
    %reduce_max3A_91 = vector.broadcast %reduce_max3A : i1 to vector<16xi1>
    %reduce_max3A_92 = tpu.scan <max>, %scan3A_85#1 masked %reduce_max3A_91 : vector<16xf32>, vector<16xi1> -> vector<16xf32>
    %reduce_max3A_93 = vector.extract %reduce_max3A_92[15] : f32 from vector<16xf32>
    %broadcast_in_dim3A_94 = vector.broadcast %reduce_max3A_93 : f32 to vector<16xf32>
    %sub3A = arith.subf %select_n3A_45, %gather3A : vector<16xf32>
    %sign3A = tpu.bitcast %sub3A : vector<16xf32> -> vector<16xi32>
    %sign3A_95 = arith.constant -2147483648 : i32
    %sign3A_96 = vector.broadcast %sign3A_95 : i32 to vector<16xi32>
    %sign3A_97 = arith.andi %sign3A, %sign3A_96 : vector<16xi32>
    %sign3A_98 = arith.constant 1065353216 : i32
    %sign3A_99 = vector.broadcast %sign3A_98 : i32 to vector<16xi32>
    %sign3A_100 = arith.ori %sign3A_99, %sign3A_97 : vector<16xi32>
    %sign3A_101 = tpu.bitcast %sign3A_100 : vector<16xi32> -> vector<16xf32>
    %sign3A_102 = math.absf %sub3A : vector<16xf32>
    %sign3A_103 = arith.constant 0.000000e+00 : f32
    %sign3A_104 = vector.broadcast %sign3A_103 : f32 to vector<16xf32>
    %sign3A_105 = arith.cmpf ogt, %sign3A_102, %sign3A_104 : vector<16xf32>
    %sign3A_106 = arith.select %sign3A_105, %sign3A_101, %sub3A : vector<16xi1>, vector<16xf32>
    %abs3A = math.absf %sub3A : vector<16xf32>
    %lt3A = arith.constant 9.99999993E-9 : f32
    %lt3A_107 = vector.broadcast %lt3A : f32 to vector<16xf32>
    %lt3A_108 = arith.cmpf olt, %abs3A, %lt3A_107 : vector<16xf32>
    %broadcast_in_dim3A_109 = arith.constant 1.000000e+00 : f32
    %broadcast_in_dim3A_110 = vector.broadcast %broadcast_in_dim3A_109 : f32 to vector<16xf32>
    %select_n3A_111 = arith.select %lt3A_108, %broadcast_in_dim3A_110, %sign3A_106 : vector<16xi1>, vector<16xf32>
    %gt3A = arith.constant 0.000000e+00 : f32
    %gt3A_112 = vector.broadcast %gt3A : f32 to vector<16xf32>
    %gt3A_113 = arith.cmpf ogt, %select_n3A_111, %gt3A_112 : vector<16xf32>
    %sub3A_114 = arith.subf %broadcast_in_dim3A_90, %gather3A : vector<16xf32>
    %sub3A_115 = arith.subf %gather3A, %broadcast_in_dim3A_94 : vector<16xf32>
    %select_n3A_116 = arith.select %gt3A_113, %sub3A_114, %sub3A_115 : vector<16xi1>, vector<16xf32>
    %gt3A_117 = arith.constant 0.000000e+00 : f32
    %gt3A_118 = vector.broadcast %gt3A_117 : f32 to vector<16xf32>
    %gt3A_119 = arith.cmpf ogt, %select_n3A_111, %gt3A_118 : vector<16xf32>
    %sub3A_120 = arith.subf %broadcast_in_dim3A_94, %gather3A : vector<16xf32>
    %sub3A_121 = arith.subf %gather3A, %broadcast_in_dim3A_90 : vector<16xf32>
    %select_n3A_122 = arith.select %gt3A_119, %sub3A_120, %sub3A_121 : vector<16xi1>, vector<16xf32>
    %sub3A_123 = arith.subf %select_n3A_122, %select_n3A_116 : vector<16xf32>
    %gt3A_124 = arith.constant 1.000000e-10 : f32
    %gt3A_125 = vector.broadcast %gt3A_124 : f32 to vector<16xf32>
    %gt3A_126 = arith.cmpf ogt, %sub3A_123, %gt3A_125 : vector<16xf32>
    %broadcast_in_dim3A_127 = arith.constant 1.000000e+00 : f32
    %broadcast_in_dim3A_128 = vector.broadcast %broadcast_in_dim3A_127 : f32 to vector<16xf32>
    %select_n3A_129 = arith.select %gt3A_126, %sub3A_123, %broadcast_in_dim3A_128 : vector<16xi1>, vector<16xf32>
    %mul3A_130 = arith.constant 3.000000e-01 : f32
    %mul3A_131 = vector.broadcast %mul3A_130 : f32 to vector<16xf32>
    %mul3A_132 = arith.mulf %mul3A_131, %select_n3A_111 : vector<16xf32>
    %div3A = arith.divf %mul3A_132, %select_n3A_129 : vector<16xf32>
    %neg3A_133 = arith.constant 0.000000e+00 : f32
    %neg3A_134 = vector.broadcast %neg3A_133 : f32 to vector<16xf32>
    %neg3A_135 = arith.subf %neg3A_134, %select_n3A_111 : vector<16xf32>
    %mul3A_136 = arith.mulf %neg3A_135, %gather3A : vector<16xf32>
    %sub3A_137 = arith.subf %mul3A_136, %select_n3A_116 : vector<16xf32>
    %mul3A_138 = arith.constant 3.000000e-01 : f32
    %mul3A_139 = vector.broadcast %mul3A_138 : f32 to vector<16xf32>
    %mul3A_140 = arith.mulf %mul3A_139, %sub3A_137 : vector<16xf32>
    %div3A_141 = arith.divf %mul3A_140, %select_n3A_129 : vector<16xf32>
    %scan3A_142 = arith.constant 0 : i32
    %scan3A_143 = arith.constant 0 : i32
    %scan3A_144 = arith.constant 8 : i32
    %scan3A_145 = arith.addi %scan3A_143, %scan3A_144 : i32
    %scan3A_146 = arith.constant 1 : i32
    %scan3A_147 = scf.for %scan3A_168 = %scan3A_143 to %scan3A_145 step %scan3A_146 iter_args(%scan3A_169 = %scan3A_142) -> (i32)  : i32 {
      %mul3A_170 = arith.constant 3 : i32
      %mul3A_171 = arith.muli %mul3A_170, %scan3A_168 : i32
      %dma_wait3A_172 = arith.constant 0 : i32
      %dma_wait3A_173 = tpu.memref_slice %arg3[%dma_wait3A_172] : memref<6400000xf32, #tpu.memory_space<hbm>> -> memref<8000xf32, #tpu.memory_space<hbm>>
      %dma_wait3A_174 = arith.constant 0 : i32
      %dma_wait3A_175 = tpu.memref_slice %arg3[%dma_wait3A_174] : memref<6400000xf32, #tpu.memory_space<hbm>> -> memref<8000xf32, #tpu.memory_space<hbm>>
      tpu.wait_dma2 semaphore(%arg15 : memref<!tpu.dma_semaphore, #tpu.memory_space<semaphore_mem>>) src(%dma_wait3A_175 : memref<8000xf32, #tpu.memory_space<hbm>>) dst(%arg8 : memref<8000xf32, #tpu.memory_space<vmem>>)
      %parallel_loop3A_176 = arith.constant 0 : i32
      %parallel_loop3A_177 = arith.constant 500 : i32
      %parallel_loop3A_178 = arith.constant 1 : i32
      scf.for %parallel_loop3A_238 = %parallel_loop3A_176 to %parallel_loop3A_177 step %parallel_loop3A_178  : i32 {
        %parallel_loop3A_239 = arith.constant 16 : i32
        %parallel_loop3A_240 = arith.muli %parallel_loop3A_238, %parallel_loop3A_239 : i32
        %parallel_loop3A_241 = arith.index_cast %parallel_loop3A_240 : i32 to index
        %parallel_loop3A_242 = tpu.vector_load %arg8[%parallel_loop3A_241] {strides = array<i32>} : memref<8000xf32, #tpu.memory_space<vmem>>, vector<16xf32>,
        %parallel_loop3A_243 = vector.bitcast %parallel_loop3A_242 : vector<16xf32> to vector<16xi32>
        %parallel_loop3A_244 = tpu.vector_load_idx %arg7[%parallel_loop3A_243] : memref<100000xf32, #tpu.memory_space<vmem>>[vector<16xi32>], vector<16xf32>,
        %parallel_loop3A_245 = arith.mulf %parallel_loop3A_244, %div3A : vector<16xf32>
        %parallel_loop3A_246 = arith.addf %parallel_loop3A_245, %div3A_141 : vector<16xf32>
        %parallel_loop3A_247 = arith.index_cast %parallel_loop3A_240 : i32 to index
        %parallel_loop3A_248 = tpu.vector_load %arg8[%parallel_loop3A_247] {strides = array<i32>} : memref<8000xf32, #tpu.memory_space<vmem>>, vector<16xf32>,
        tpu.vector_store %arg8[%parallel_loop3A_247], %parallel_loop3A_246 {strides = array<i32>} : memref<8000xf32, #tpu.memory_space<vmem>>, vector<16xf32>,
      } {sc.loop_unroll_factor = 8 : i64, sc.parallel_access}
      %mul3A_179 = arith.constant 8000 : i32
      %mul3A_180 = arith.muli %mul3A_171, %mul3A_179 : i32
      %add3A_181 = arith.addi %mul3A_2, %mul3A_180 : i32
      %dma_start3A_182 = tpu.memref_slice %arg5[%add3A_181] : memref<6400000xf32, #tpu.memory_space<hbm>> -> memref<8000xf32, #tpu.memory_space<hbm>>
      %dma_start3A_183 = tpu.memref_slice %arg5[%add3A_181] : memref<6400000xf32, #tpu.memory_space<hbm>> -> memref<8000xf32, #tpu.memory_space<hbm>>
      tpu.enqueue_dma source(%arg8 : memref<8000xf32, #tpu.memory_space<vmem>>) target(%dma_start3A_183 : memref<8000xf32, #tpu.memory_space<hbm>>) target_semaphore(%arg18 : memref<!tpu.dma_semaphore, #tpu.memory_space<semaphore_mem>>)
      %gt3A_184 = arith.constant 0 : i32
      %gt3A_185 = arith.cmpi sgt, %scan3A_168, %gt3A_184 : i32
      %convert_element_type3A = arith.extui %gt3A_185 : i1 to i32
      %cond3A = arith.constant 0 : i32
      %cond3A_186 = arith.cmpi ne, %convert_element_type3A, %cond3A : i32
      scf.if %cond3A_186 {
        %dma_wait3A_238 = arith.constant 0 : i32
        %dma_wait3A_239 = tpu.memref_slice %arg5[%dma_wait3A_238] : memref<6400000xf32, #tpu.memory_space<hbm>> -> memref<8000xf32, #tpu.memory_space<hbm>>
        %dma_wait3A_240 = arith.constant 0 : i32
        %dma_wait3A_241 = tpu.memref_slice %arg5[%dma_wait3A_240] : memref<6400000xf32, #tpu.memory_space<hbm>> -> memref<8000xf32, #tpu.memory_space<hbm>>
        tpu.wait_dma2 semaphore(%arg20 : memref<!tpu.dma_semaphore, #tpu.memory_space<semaphore_mem>>) src(%arg10 : memref<8000xf32, #tpu.memory_space<vmem>>) dst(%dma_wait3A_241 : memref<8000xf32, #tpu.memory_space<hbm>>)
        %add3A_242 = arith.constant 2 : i32
        %add3A_243 = arith.addi %mul3A_171, %add3A_242 : i32
        %mul3A_244 = arith.constant 8000 : i32
        %mul3A_245 = arith.muli %add3A_243, %mul3A_244 : i32
        %add3A_246 = arith.addi %mul3A_2, %mul3A_245 : i32
        %dma_start3A_247 = tpu.memref_slice %arg3[%add3A_246] : memref<6400000xf32, #tpu.memory_space<hbm>> -> memref<8000xf32, #tpu.memory_space<hbm>>
        %dma_start3A_248 = tpu.memref_slice %arg3[%add3A_246] : memref<6400000xf32, #tpu.memory_space<hbm>> -> memref<8000xf32, #tpu.memory_space<hbm>>
        tpu.enqueue_dma source(%dma_start3A_248 : memref<8000xf32, #tpu.memory_space<hbm>>) target(%arg10 : memref<8000xf32, #tpu.memory_space<vmem>>) target_semaphore(%arg17 : memref<!tpu.dma_semaphore, #tpu.memory_space<semaphore_mem>>)
      } else {
      }
      %dma_wait3A_187 = arith.constant 0 : i32
      %dma_wait3A_188 = tpu.memref_slice %arg3[%dma_wait3A_187] : memref<6400000xf32, #tpu.memory_space<hbm>> -> memref<8000xf32, #tpu.memory_space<hbm>>
      %dma_wait3A_189 = arith.constant 0 : i32
      %dma_wait3A_190 = tpu.memref_slice %arg3[%dma_wait3A_189] : memref<6400000xf32, #tpu.memory_space<hbm>> -> memref<8000xf32, #tpu.memory_space<hbm>>
      tpu.wait_dma2 semaphore(%arg16 : memref<!tpu.dma_semaphore, #tpu.memory_space<semaphore_mem>>) src(%dma_wait3A_190 : memref<8000xf32, #tpu.memory_space<hbm>>) dst(%arg9 : memref<8000xf32, #tpu.memory_space<vmem>>)
      %parallel_loop3A_191 = arith.constant 0 : i32
      %parallel_loop3A_192 = arith.constant 500 : i32
      %parallel_loop3A_193 = arith.constant 1 : i32
      scf.for %parallel_loop3A_238 = %parallel_loop3A_191 to %parallel_loop3A_192 step %parallel_loop3A_193  : i32 {
        %parallel_loop3A_239 = arith.constant 16 : i32
        %parallel_loop3A_240 = arith.muli %parallel_loop3A_238, %parallel_loop3A_239 : i32
        %parallel_loop3A_241 = arith.index_cast %parallel_loop3A_240 : i32 to index
        %parallel_loop3A_242 = tpu.vector_load %arg9[%parallel_loop3A_241] {strides = array<i32>} : memref<8000xf32, #tpu.memory_space<vmem>>, vector<16xf32>,
        %parallel_loop3A_243 = vector.bitcast %parallel_loop3A_242 : vector<16xf32> to vector<16xi32>
        %parallel_loop3A_244 = tpu.vector_load_idx %arg7[%parallel_loop3A_243] : memref<100000xf32, #tpu.memory_space<vmem>>[vector<16xi32>], vector<16xf32>,
        %parallel_loop3A_245 = arith.mulf %parallel_loop3A_244, %div3A : vector<16xf32>
        %parallel_loop3A_246 = arith.addf %parallel_loop3A_245, %div3A_141 : vector<16xf32>
        %parallel_loop3A_247 = arith.index_cast %parallel_loop3A_240 : i32 to index
        %parallel_loop3A_248 = tpu.vector_load %arg9[%parallel_loop3A_247] {strides = array<i32>} : memref<8000xf32, #tpu.memory_space<vmem>>, vector<16xf32>,
        tpu.vector_store %arg9[%parallel_loop3A_247], %parallel_loop3A_246 {strides = array<i32>} : memref<8000xf32, #tpu.memory_space<vmem>>, vector<16xf32>,
      } {sc.loop_unroll_factor = 8 : i64, sc.parallel_access}
      %add3A_194 = arith.constant 1 : i32
      %add3A_195 = arith.addi %mul3A_171, %add3A_194 : i32
      %mul3A_196 = arith.constant 8000 : i32
      %mul3A_197 = arith.muli %add3A_195, %mul3A_196 : i32
      %add3A_198 = arith.addi %mul3A_2, %mul3A_197 : i32
      %dma_start3A_199 = tpu.memref_slice %arg5[%add3A_198] : memref<6400000xf32, #tpu.memory_space<hbm>> -> memref<8000xf32, #tpu.memory_space<hbm>>
      %dma_start3A_200 = tpu.memref_slice %arg5[%add3A_198] : memref<6400000xf32, #tpu.memory_space<hbm>> -> memref<8000xf32, #tpu.memory_space<hbm>>
      tpu.enqueue_dma source(%arg9 : memref<8000xf32, #tpu.memory_space<vmem>>) target(%dma_start3A_200 : memref<8000xf32, #tpu.memory_space<hbm>>) target_semaphore(%arg19 : memref<!tpu.dma_semaphore, #tpu.memory_space<semaphore_mem>>)
      %dma_wait3A_201 = arith.constant 0 : i32
      %dma_wait3A_202 = tpu.memref_slice %arg5[%dma_wait3A_201] : memref<6400000xf32, #tpu.memory_space<hbm>> -> memref<8000xf32, #tpu.memory_space<hbm>>
      %dma_wait3A_203 = arith.constant 0 : i32
      %dma_wait3A_204 = tpu.memref_slice %arg5[%dma_wait3A_203] : memref<6400000xf32, #tpu.memory_space<hbm>> -> memref<8000xf32, #tpu.memory_space<hbm>>
      tpu.wait_dma2 semaphore(%arg18 : memref<!tpu.dma_semaphore, #tpu.memory_space<semaphore_mem>>) src(%arg8 : memref<8000xf32, #tpu.memory_space<vmem>>) dst(%dma_wait3A_204 : memref<8000xf32, #tpu.memory_space<hbm>>)
      %add3A_205 = arith.constant 3 : i32
      %add3A_206 = arith.addi %mul3A_171, %add3A_205 : i32
      %lt3A_207 = arith.constant 25 : i32
      %lt3A_208 = arith.cmpi slt, %add3A_206, %lt3A_207 : i32
      %convert_element_type3A_209 = arith.extui %lt3A_208 : i1 to i32
      %cond3A_210 = arith.constant 0 : i32
      %cond3A_211 = arith.cmpi ne, %convert_element_type3A_209, %cond3A_210 : i32
      scf.if %cond3A_211 {
        %add3A_238 = arith.constant 3 : i32
        %add3A_239 = arith.addi %mul3A_171, %add3A_238 : i32
        %mul3A_240 = arith.constant 8000 : i32
        %mul3A_241 = arith.muli %add3A_239, %mul3A_240 : i32
        %add3A_242 = arith.addi %mul3A_2, %mul3A_241 : i32
        %dma_start3A_243 = tpu.memref_slice %arg3[%add3A_242] : memref<6400000xf32, #tpu.memory_space<hbm>> -> memref<8000xf32, #tpu.memory_space<hbm>>
        %dma_start3A_244 = tpu.memref_slice %arg3[%add3A_242] : memref<6400000xf32, #tpu.memory_space<hbm>> -> memref<8000xf32, #tpu.memory_space<hbm>>
        tpu.enqueue_dma source(%dma_start3A_244 : memref<8000xf32, #tpu.memory_space<hbm>>) target(%arg8 : memref<8000xf32, #tpu.memory_space<vmem>>) target_semaphore(%arg15 : memref<!tpu.dma_semaphore, #tpu.memory_space<semaphore_mem>>)
      } else {
      }
      %dma_wait3A_212 = arith.constant 0 : i32
      %dma_wait3A_213 = tpu.memref_slice %arg3[%dma_wait3A_212] : memref<6400000xf32, #tpu.memory_space<hbm>> -> memref<8000xf32, #tpu.memory_space<hbm>>
      %dma_wait3A_214 = arith.constant 0 : i32
      %dma_wait3A_215 = tpu.memref_slice %arg3[%dma_wait3A_214] : memref<6400000xf32, #tpu.memory_space<hbm>> -> memref<8000xf32, #tpu.memory_space<hbm>>
      tpu.wait_dma2 semaphore(%arg17 : memref<!tpu.dma_semaphore, #tpu.memory_space<semaphore_mem>>) src(%dma_wait3A_215 : memref<8000xf32, #tpu.memory_space<hbm>>) dst(%arg10 : memref<8000xf32, #tpu.memory_space<vmem>>)
      %parallel_loop3A_216 = arith.constant 0 : i32
      %parallel_loop3A_217 = arith.constant 500 : i32
      %parallel_loop3A_218 = arith.constant 1 : i32
      scf.for %parallel_loop3A_238 = %parallel_loop3A_216 to %parallel_loop3A_217 step %parallel_loop3A_218  : i32 {
        %parallel_loop3A_239 = arith.constant 16 : i32
        %parallel_loop3A_240 = arith.muli %parallel_loop3A_238, %parallel_loop3A_239 : i32
        %parallel_loop3A_241 = arith.index_cast %parallel_loop3A_240 : i32 to index
        %parallel_loop3A_242 = tpu.vector_load %arg10[%parallel_loop3A_241] {strides = array<i32>} : memref<8000xf32, #tpu.memory_space<vmem>>, vector<16xf32>,
        %parallel_loop3A_243 = vector.bitcast %parallel_loop3A_242 : vector<16xf32> to vector<16xi32>
        %parallel_loop3A_244 = tpu.vector_load_idx %arg7[%parallel_loop3A_243] : memref<100000xf32, #tpu.memory_space<vmem>>[vector<16xi32>], vector<16xf32>,
        %parallel_loop3A_245 = arith.mulf %parallel_loop3A_244, %div3A : vector<16xf32>
        %parallel_loop3A_246 = arith.addf %parallel_loop3A_245, %div3A_141 : vector<16xf32>
        %parallel_loop3A_247 = arith.index_cast %parallel_loop3A_240 : i32 to index
        %parallel_loop3A_248 = tpu.vector_load %arg10[%parallel_loop3A_247] {strides = array<i32>} : memref<8000xf32, #tpu.memory_space<vmem>>, vector<16xf32>,
        tpu.vector_store %arg10[%parallel_loop3A_247], %parallel_loop3A_246 {strides = array<i32>} : memref<8000xf32, #tpu.memory_space<vmem>>, vector<16xf32>,
      } {sc.loop_unroll_factor = 8 : i64, sc.parallel_access}
      %add3A_219 = arith.constant 2 : i32
      %add3A_220 = arith.addi %mul3A_171, %add3A_219 : i32
      %mul3A_221 = arith.constant 8000 : i32
      %mul3A_222 = arith.muli %add3A_220, %mul3A_221 : i32
      %add3A_223 = arith.addi %mul3A_2, %mul3A_222 : i32
      %dma_start3A_224 = tpu.memref_slice %arg5[%add3A_223] : memref<6400000xf32, #tpu.memory_space<hbm>> -> memref<8000xf32, #tpu.memory_space<hbm>>
      %dma_start3A_225 = tpu.memref_slice %arg5[%add3A_223] : memref<6400000xf32, #tpu.memory_space<hbm>> -> memref<8000xf32, #tpu.memory_space<hbm>>
      tpu.enqueue_dma source(%arg10 : memref<8000xf32, #tpu.memory_space<vmem>>) target(%dma_start3A_225 : memref<8000xf32, #tpu.memory_space<hbm>>) target_semaphore(%arg20 : memref<!tpu.dma_semaphore, #tpu.memory_space<semaphore_mem>>)
      %dma_wait3A_226 = arith.constant 0 : i32
      %dma_wait3A_227 = tpu.memref_slice %arg5[%dma_wait3A_226] : memref<6400000xf32, #tpu.memory_space<hbm>> -> memref<8000xf32, #tpu.memory_space<hbm>>
      %dma_wait3A_228 = arith.constant 0 : i32
      %dma_wait3A_229 = tpu.memref_slice %arg5[%dma_wait3A_228] : memref<6400000xf32, #tpu.memory_space<hbm>> -> memref<8000xf32, #tpu.memory_space<hbm>>
      tpu.wait_dma2 semaphore(%arg19 : memref<!tpu.dma_semaphore, #tpu.memory_space<semaphore_mem>>) src(%arg9 : memref<8000xf32, #tpu.memory_space<vmem>>) dst(%dma_wait3A_229 : memref<8000xf32, #tpu.memory_space<hbm>>)
      %add3A_230 = arith.constant 4 : i32
      %add3A_231 = arith.addi %mul3A_171, %add3A_230 : i32
      %lt3A_232 = arith.constant 25 : i32
      %lt3A_233 = arith.cmpi slt, %add3A_231, %lt3A_232 : i32
      %convert_element_type3A_234 = arith.extui %lt3A_233 : i1 to i32
      %cond3A_235 = arith.constant 0 : i32
      %cond3A_236 = arith.cmpi ne, %convert_element_type3A_234, %cond3A_235 : i32
      scf.if %cond3A_236 {
        %add3A_238 = arith.constant 4 : i32
        %add3A_239 = arith.addi %mul3A_171, %add3A_238 : i32
        %mul3A_240 = arith.constant 8000 : i32
        %mul3A_241 = arith.muli %add3A_239, %mul3A_240 : i32
        %add3A_242 = arith.addi %mul3A_2, %mul3A_241 : i32
        %dma_start3A_243 = tpu.memref_slice %arg3[%add3A_242] : memref<6400000xf32, #tpu.memory_space<hbm>> -> memref<8000xf32, #tpu.memory_space<hbm>>
        %dma_start3A_244 = tpu.memref_slice %arg3[%add3A_242] : memref<6400000xf32, #tpu.memory_space<hbm>> -> memref<8000xf32, #tpu.memory_space<hbm>>
        tpu.enqueue_dma source(%dma_start3A_244 : memref<8000xf32, #tpu.memory_space<hbm>>) target(%arg9 : memref<8000xf32, #tpu.memory_space<vmem>>) target_semaphore(%arg16 : memref<!tpu.dma_semaphore, #tpu.memory_space<semaphore_mem>>)
      } else {
      }
      %scan3A_237 = arith.constant 0 : i32
      scf.yield %scan3A_237 : i32
    }
    %scan3A_148 = arith.constant 8 : i32
    %dma_wait3A_149 = arith.constant 0 : i32
    %dma_wait3A_150 = tpu.memref_slice %arg3[%dma_wait3A_149] : memref<6400000xf32, #tpu.memory_space<hbm>> -> memref<8000xf32, #tpu.memory_space<hbm>>
    %dma_wait3A_151 = arith.constant 0 : i32
    %dma_wait3A_152 = tpu.memref_slice %arg3[%dma_wait3A_151] : memref<6400000xf32, #tpu.memory_space<hbm>> -> memref<8000xf32, #tpu.memory_space<hbm>>
    tpu.wait_dma2 semaphore(%arg15 : memref<!tpu.dma_semaphore, #tpu.memory_space<semaphore_mem>>) src(%dma_wait3A_152 : memref<8000xf32, #tpu.memory_space<hbm>>) dst(%arg8 : memref<8000xf32, #tpu.memory_space<vmem>>)
    %dma_wait3A_153 = arith.constant 0 : i32
    %dma_wait3A_154 = tpu.memref_slice %arg5[%dma_wait3A_153] : memref<6400000xf32, #tpu.memory_space<hbm>> -> memref<8000xf32, #tpu.memory_space<hbm>>
    %dma_wait3A_155 = arith.constant 0 : i32
    %dma_wait3A_156 = tpu.memref_slice %arg5[%dma_wait3A_155] : memref<6400000xf32, #tpu.memory_space<hbm>> -> memref<8000xf32, #tpu.memory_space<hbm>>
    tpu.wait_dma2 semaphore(%arg20 : memref<!tpu.dma_semaphore, #tpu.memory_space<semaphore_mem>>) src(%arg10 : memref<8000xf32, #tpu.memory_space<vmem>>) dst(%dma_wait3A_156 : memref<8000xf32, #tpu.memory_space<hbm>>)
    %parallel_loop3A_157 = arith.constant 0 : i32
    %parallel_loop3A_158 = arith.constant 500 : i32
    %parallel_loop3A_159 = arith.constant 1 : i32
    scf.for %parallel_loop3A_168 = %parallel_loop3A_157 to %parallel_loop3A_158 step %parallel_loop3A_159  : i32 {
      %parallel_loop3A_169 = arith.constant 16 : i32
      %parallel_loop3A_170 = arith.muli %parallel_loop3A_168, %parallel_loop3A_169 : i32
      %parallel_loop3A_171 = arith.index_cast %parallel_loop3A_170 : i32 to index
      %parallel_loop3A_172 = tpu.vector_load %arg8[%parallel_loop3A_171] {strides = array<i32>} : memref<8000xf32, #tpu.memory_space<vmem>>, vector<16xf32>,
      %parallel_loop3A_173 = vector.bitcast %parallel_loop3A_172 : vector<16xf32> to vector<16xi32>
      %parallel_loop3A_174 = tpu.vector_load_idx %arg7[%parallel_loop3A_173] : memref<100000xf32, #tpu.memory_space<vmem>>[vector<16xi32>], vector<16xf32>,
      %parallel_loop3A_175 = arith.mulf %parallel_loop3A_174, %div3A : vector<16xf32>
      %parallel_loop3A_176 = arith.addf %parallel_loop3A_175, %div3A_141 : vector<16xf32>
      %parallel_loop3A_177 = arith.index_cast %parallel_loop3A_170 : i32 to index
      %parallel_loop3A_178 = tpu.vector_load %arg8[%parallel_loop3A_177] {strides = array<i32>} : memref<8000xf32, #tpu.memory_space<vmem>>, vector<16xf32>,
      tpu.vector_store %arg8[%parallel_loop3A_177], %parallel_loop3A_176 {strides = array<i32>} : memref<8000xf32, #tpu.memory_space<vmem>>, vector<16xf32>,
    } {sc.loop_unroll_factor = 8 : i64, sc.parallel_access}
    %add3A_160 = arith.constant 192000 : i32
    %add3A_161 = arith.addi %mul3A_2, %add3A_160 : i32
    %dma_start3A_162 = tpu.memref_slice %arg5[%add3A_161] : memref<6400000xf32, #tpu.memory_space<hbm>> -> memref<8000xf32, #tpu.memory_space<hbm>>
    %dma_start3A_163 = tpu.memref_slice %arg5[%add3A_161] : memref<6400000xf32, #tpu.memory_space<hbm>> -> memref<8000xf32, #tpu.memory_space<hbm>>
    tpu.enqueue_dma source(%arg8 : memref<8000xf32, #tpu.memory_space<vmem>>) target(%dma_start3A_163 : memref<8000xf32, #tpu.memory_space<hbm>>) target_semaphore(%arg18 : memref<!tpu.dma_semaphore, #tpu.memory_space<semaphore_mem>>)
    %dma_wait3A_164 = arith.constant 0 : i32
    %dma_wait3A_165 = tpu.memref_slice %arg5[%dma_wait3A_164] : memref<6400000xf32, #tpu.memory_space<hbm>> -> memref<8000xf32, #tpu.memory_space<hbm>>
    %dma_wait3A_166 = arith.constant 0 : i32
    %dma_wait3A_167 = tpu.memref_slice %arg5[%dma_wait3A_166] : memref<6400000xf32, #tpu.memory_space<hbm>> -> memref<8000xf32, #tpu.memory_space<hbm>>
    tpu.wait_dma2 semaphore(%arg18 : memref<!tpu.dma_semaphore, #tpu.memory_space<semaphore_mem>>) src(%arg8 : memref<8000xf32, #tpu.memory_space<vmem>>) dst(%dma_wait3A_167 : memref<8000xf32, #tpu.memory_space<hbm>>)
    return
  }
}

</mosaic_0001>

<sc_bundles>
// kernel: kernel.3.cloned.1.call-start
scs
__scs_entry_jumppad:
0x0: {  	(pc) =	sbr.rel $0x88, $3  }
0x1: {  	(tag) =	ssettag $0x0;
	lr =	simm.s32 $0x1  }
0x2: {  	[smem:$0x3F9D] =	sst lr;
	_ =	strace $0xD0000000  }
0x3: {  	_ = 	snop  }
0x4: {  	_ = 	snop  }
0x5: {  	_ = 	snop  }
0x6: {  	_ = 	snop  }
0x7: {  	_ = 	snop  }
__scs_overlays_trampoline_lowered:
0x8: {  	[smem:$0x3FAC] =	sst s0  }
0x9: {  	[smem:$0x3FAD] =	sst s1  }
0xa: {  	[smem:$0x3FAE] =	sst s2  }
0xb: {  	[smem:$0x3FAF] =	sst s3  }
0xc: {  	[smem:$0x3FB0] =	sst s4  }
0xd: {  	[smem:$0x3FB1] =	sst s5  }
0xe: {  	[smem:$0x3FB2] =	sst s6  }
0xf: {  	[smem:$0x3FB3] =	sst s7  }
0x10: {  	[smem:$0x3FB4] =	sst s8  }
0x11: {  	[smem:$0x3FB5] =	sst s9;
	s0 =	simm.s32 @!p0 $0x0  }
0x12: {  	s1 =	sld [smem:$0x3F9B];
	s0 =	simm.s32 @p0 $0x1  }
0x13: {  	[smem:$0x3FB6] =	sst s0;
	s0 =	simm.s32 @!p1 $0x0  }
0x14: {  	s2 =	sld [smem:$0x3F9A];
	s0 =	simm.s32 @p1 $0x1  }
0x15: {  	[smem:$0x3FB7] =	sst s0;
	s0 =	simm.s32 @!p2 $0x0  }
0x16: {  	s3 =	sld [smem:$0x3FDB];
	s0 =	simm.s32 @p2 $0x1  }
0x17: {  	s4 =	simm.s32 $0x1BF5;
	[smem:$0x3FB9] =	sst s0  }
0x18: {  	s0 =	sld [smem:$0x3F9C];
	_ =	swait.ge [sflag:s4], $0x0  }
0x19: {  	s7 =	sld [smem:$0x3F9D]  }
0x1a: {  	s8 =	sadd.s32 $0xFFFFE003, lr  }
0x1b: {  	s9 =	sadd.s32 $0xFFFFFEF7, lr;
	s5 =	simm.s32 $0xFFFFFFFF;
	p2 =	slt.u32 s8, $0xFFFFF086  }
0x1c: {  	p1 =	slt.u32 s9, $0xF7A;
	s5 =	simm.s32 @!p2 $0x0  }
0x1d: {  	s5 =	simm.s32 @p1 $0x1;
	p0 =	seq.s32 s7, s2  }
0x1e: {  	s7 =	smul.u32 @!p0 $0xF7A, s2;
	p2 =	seq.s32 @!p0 s5, $0x0  }
0x1f: {  	s9 =	smul.u32 $0xF7A, s1;
	s8 =	simm.s32 @!p0 $0x1BF5;
	p2 =	por !p2, p0  }
0x20: {  	[sflag:s8] =	ssyncset.s32 @!p0 $0xFFFFF086;
	s6 =	sadd.s32 @!p0 s3, s7;
	s7 =	simm.s32 @!p0 $0x108  }
0x21: {  	s3 =	sadd.s32 s3, s9;
	s6 =	sadd.s32 @!p0 $0x88, s6;
	s7 =	simm.s32 @p2 $0x1082  }
0x22: {  	[simem:s7], [sflag:s8] =	dma.local @!p0 [hbm:s6], $0xF7A  }
0x23: {  	s9 =	sor.u32 $0xD0000000, s2;
	s6 =	simm.s32 $0x108;
	_ =	swait.ge @!p0 [sflag:s8], $0x0  }
0x24: {  	s3 =	sadd.s32 $0x88, s3;
	s6 =	simm.s32 @!p1 $0x1082;
	[sflag:s4] =	ssyncset.s32 $0xFFFFF086  }
0x25: {  	[simem:s6], [sflag:s4] =	dma.local [hbm:s3], $0xF7A  }
0x26: {  	[smem:$0x3F9D] =	sst s1;
	(tag) =	ssettag s2;
	_ =	strace s9  }
0x27: {  	s1 =	sld [smem:$0x3FAD]  }
0x28: {  	s2 =	sld [smem:$0x3FAE]  }
0x29: {  	s4 =	sld [smem:$0x3FB0]  }
0x2a: {  	p0 =	seq.s32 s5, $0x0;
	s5 =	sld [smem:$0x3FB1]  }
0x2b: {  	s6 =	sld [smem:$0x3FB2]  }
0x2c: {  	s7 =	sld [smem:$0x3FB3]  }
0x2d: {  	s3 =	simm.s32 $0x108;
	s8 =	sld [smem:$0x3FB4]  }
0x2e: {  	s3 =	simm.s32 @!p0 $0x1082;
	s9 =	sld [smem:$0x3FB5]  }
0x2f: {  	lr =	sadd.s32 s0, s3;
	s0 =	sld [smem:$0x3FAC]  }
0x30: {  	s3 =	sld [smem:$0x3FAF]  }
0x31: {  	[smem:$0x3FB8] =	sst s10  }
0x32: {  	s10 =	sld [smem:$0x3FB6];
	_ =	sdelay $0x3  }
0x33: {  	p0 =	seq.s32 s10, $0x1;
	s10 =	sld [smem:$0x3FB8];
	_ =	sdelay $0x3  }
0x34: {  	[smem:$0x3FB8] =	sst s10  }
0x35: {  	s10 =	sld [smem:$0x3FB7];
	_ =	sdelay $0x3  }
0x36: {  	p1 =	seq.s32 s10, $0x1;
	s10 =	sld [smem:$0x3FB8];
	_ =	sdelay $0x3  }
0x37: {  	[smem:$0x3FB8] =	sst s10  }
0x38: {  	s10 =	sld [smem:$0x3FB9]  }
0x39: {  	_ = 	snop;
	(pc) =	sbr.ind lr, $3  }
0x3a: {  	_ = 	snop  }
0x3b: {  	_ = 	snop  }
0x3c: {  	p2 =	seq.s32 s10, $0x1;
	s10 =	sld [smem:$0x3FB8]  }
0x3d: {  	_ =	shalt  }
0x3e: {  	_ =	shalt  }
0x3f: {  	_ =	shalt  }
0x40: {  	_ =	shalt  }
0x41: {  	_ =	shalt  }
0x42: {  	_ =	shalt  }
0x43: {  	_ =	shalt  }
0x44: {  	_ =	shalt  }
0x45: {  	_ =	shalt  }
0x46: {  	_ =	shalt  }
0x47: {  	_ =	shalt  }
0x48: {  	_ =	shalt  }
0x49: {  	_ =	shalt  }
0x4a: {  	_ =	shalt  }
0x4b: {  	_ =	shalt  }
0x4c: {  	_ =	shalt  }
0x4d: {  	_ =	shalt  }
0x4e: {  	_ =	shalt  }
0x4f: {  	_ =	shalt  }
0x50: {  	_ =	shalt  }
0x51: {  	_ =	shalt  }
0x52: {  	_ =	shalt  }
0x53: {  	_ =	shalt  }
0x54: {  	_ =	shalt  }
0x55: {  	_ =	shalt  }
0x56: {  	_ =	shalt  }
0x57: {  	_ =	shalt  }
0x58: {  	_ =	shalt  }
0x59: {  	_ =	shalt  }
0x5a: {  	_ =	shalt  }
0x5b: {  	_ =	shalt  }
0x5c: {  	_ =	shalt  }
0x5d: {  	_ =	shalt  }
0x5e: {  	_ =	shalt  }
0x5f: {  	_ =	shalt  }
0x60: {  	_ =	shalt  }
0x61: {  	_ =	shalt  }
0x62: {  	_ =	shalt  }
0x63: {  	_ =	shalt  }
0x64: {  	_ =	shalt  }
0x65: {  	_ =	shalt  }
0x66: {  	_ =	shalt  }
0x67: {  	_ =	shalt  }
0x68: {  	_ =	shalt  }
0x69: {  	_ =	shalt  }
0x6a: {  	_ =	shalt  }
0x6b: {  	_ =	shalt  }
0x6c: {  	_ =	shalt  }
0x6d: {  	_ =	shalt  }
0x6e: {  	_ =	shalt  }
0x6f: {  	_ =	shalt  }
0x70: {  	_ =	shalt  }
0x71: {  	_ =	shalt  }
0x72: {  	_ =	shalt  }
0x73: {  	_ =	shalt  }
0x74: {  	_ =	shalt  }
0x75: {  	_ =	shalt  }
0x76: {  	_ =	shalt  }
0x77: {  	_ =	shalt  }
0x78: {  	_ =	shalt  }
0x79: {  	_ =	shalt  }
0x7a: {  	_ =	shalt  }
0x7b: {  	_ =	shalt  }
0x7c: {  	_ =	shalt  }
0x7d: {  	_ =	shalt  }
0x7e: {  	_ =	shalt  }
0x7f: {  	_ =	shalt  }
0x80: {  	_ =	shalt  }
0x81: {  	_ =	shalt  }
0x82: {  	_ =	shalt  }
0x83: {  	_ =	shalt  }
0x84: {  	_ =	shalt  }
0x85: {  	_ =	shalt  }
0x86: {  	_ =	shalt  }
0x87: {  	_ =	shalt  }
.Lfunc_end0:
.L_simem_size_0:
called_computation_lowered:
.L_overlay_start_0:
0x88: {  	s2 =	sld [smem:$0x3FD9]  }
0x89: {  	s3 =	sld [smem:$0x3FFE];
	_ =	sdelay $0x1  }
0x8a: {  	s1 =	srdreg.scid  }
0x8b: {  	s0 =	sand.u32 $0x1, s1  }
0x8c: {  	s17 =	sshll.u32 s0, $0xA;
	s2 =	sadd.s32 s3, s2  }
0x8d: {  	s2 =	sadd.s32 s2, s17  }
0x8e: {  	[smem:$0x3FC4] =	sst s2  }
0x8f: {  	_ = 	snop  }
0x90: {  	s2 =	sld [smem:$0x3FC9]  }
0x91: {  	s18 =	sld [smem:$0x3FD0];
	(tm) =	ssettm $0x1  }
0x92: {  	s4 =	sld [smem:$0x3FFB];
	_ =	sdelay $0x3  }
0x93: {  	_ =	strace s4  }
0x94: {  	s4 =	sld [smem:$0x3FFC];
	_ =	sdelay $0x3  }
0x95: {  	_ =	strace s4  }
0x96: {  	s4 =	sld [smem:$0x3FFD];
	_ =	sdelay $0x3  }
0x97: {  	_ =	strace s4  }
0x98: {  	_ =	strace $0x8FFFFFFF  }
0x99: {  	s19 =	sld [smem:$0x3FDB];
	_ =	sdelay $0x1  }
0x9a: {  	s5 =	simm.s32 $_scs_section_size  }
0x9b: {  	s6 =	simm.s32 $_size__tile_overlayer_lowered;
	s7 =	simm.s32 $_tile_overlayer_lowered  }
0x9c: {  	s22 =	simm.s32 $0x1BFF;
	s21 =	sshll.u32 s7, $0x1;
	s4 =	sadd.s32 s5, s19  }
0x9d: {  	s8 =	simm.s32 $0x0;
	s20 =	sshll.u32 s6, $0x1;
	s6 =	sadd.s32 s21, s4  }
0x9e: {  	[timem:s8], [sflag:s22] =	dma.local [hbm:s6], s20  }
0x9f: {  	_ =	swait.ge [sflag:s22], s20  }
0xa0: {  	s5 =	ssub.s32 $0x0, s20;
	[sflag:s22] =	ssyncset.done $0x0  }
0xa1: {  	[sflag:s22] =	ssyncadd.s32 s5;
	_ =	sdelay $0x1  }
0xa2: {  	s23 =	simm.s32 $0x1B8B  }
0xa3: {  	_ =	swait.ge [sflag:s23], $0x1  }
0xa4: {  	[sflag:s23] =	ssyncset.done $0x0  }
0xa5: {  	s25 =	simm.s32 $0x1B8E;
	s24 =	sld [smem:$0x3FFE];
	[sflag:s23] =	ssyncadd.s32 $0xFFFFFFFF  }
0xa6: {  	s26 =	simm.s32 $execute0_lowered;
	[smem:$0x3FD2] =	sst s25  }
0xa7: {  	s6 =	sshll.u32 s26, $0x1;
	_ =	strace $0x80000046;
	[dreg:$0x1] =	wrdreg $0xFFFFFFFF  }
0xa8: {  	s28 =	simm.s32 $_size_execute0_lowered;
	s4 =	sadd.s32 s4, s6;
	[dreg:$0x0] =	wrdreg $0x0  }
0xa9: {  	s6 =	sshll.u32 s28, $0x1;
	[dreg:$0x2] =	wrdreg s4  }
0xaa: {  	[dreg:$0x3] =	wrdreg s6  }
0xab: {  	[dreg:$0x4] =	wrdreg $0xC0  }
0xac: {  	_ =	task [dreg:s8], $0x5FFFF  }
0xad: {  	[dreg:$0x1] =	wrdreg $0xFFFFFFFF  }
0xae: {  	[dreg:$0x0] =	wrdreg $0x60  }
0xaf: {  	[dreg:$0x2] =	wrdreg s2  }
0xb0: {  	[dreg:$0x3] =	wrdreg s24  }
0xb1: {  	[dreg:$0x4] =	wrdreg s18  }
0xb2: {  	[dreg:$0x5] =	wrdreg $0x9  }
0xb3: {  	_ =	task.clear_ibuf [dreg:s8], $0x6FFFF;
	_ =	strace $0x90000046  }
0xb4: {  	s29 =	simm.s32 $0x9;
	_ =	strace $0x80000048  }
0xb5: {  	_ =	swait.ge [sflag:s29], $0x1  }
0xb6: {  	[sflag:s29] =	ssyncadd.s32 $0xFFFFFFFF  }
0xb7: {  	_ =	strace $0x90000048  }
0xb8: {  	_ =	sfence  }
0xb9: {  	s30 =	sld [smem:$0x0];
	_ =	sdelay $0x2  }
0xba: {  	s31 =	sshll.u32 s1, $0xD;
	s1 =	sshrl.u32 s1, $0x2  }
0xbb: {  	s3 =	sand.u32 $0x4000, s31;
	s1 =	sadd.s32 s1, s30  }
0xbc: {  	s0 =	sor.u32 s3, s0;
	s1 =	sshll.u32 s1, $0x11  }
0xbd: {  	s0 =	sor.u32 s1, s0  }
0xbe: {  	s0 =	sadd.s32 $0x8F2B, s0  }
0xbf: {  	[sflag:s0] =	ssyncadd.remote.s32 $0x1  }
0xc0: {  	_ =	sfence.sel $0xFFFF  }
0xc1: {  	[dreg:$0x0] =	wrdreg $0xFFFFFFFF;
	(pc) =	sbr.abs _section_cstart, $3  }
0xc2: {  	[dreg:$0x1] =	wrdreg $0xFFFFFFFF  }
0xc3: {  	_ =	task.clear_ibuf [dreg:s8], $0x2FFFF;
	_ =	strace $0x9FFFFFFF  }
0xc4: {  	(tm) =	ssettm $0x7FFFFFFF  }
0xc5: {  	_ =	shalt  }
tec
execute0_lowered:
.L_overlay_start_1:
0x0: {  	(tag) =	ssettag $0x1  }
0x1: {  	s0 =	rddreg [dreg:$0x1]  }
0x2: {  	s3 =	rddreg [dreg:$0x2]  }
0x3: {  	s1 =	srdreg.scid;
	s2 =	stileid.u32;
	s4 =	simm.s32 $0x0  }
0x4: {  	s19 =	simm.s32 $0x18700;
	s20 =	simm.s32 $0x1A680;
	s22 =	simm.s32 $0x8  }
0x5: {  	s23 =	simm.s32 $0x1;
	s28 =	simm.s32 $0x4;
	s30 =	simm.s32 $0x1E580  }
0x6: {  	s31 =	simm.s32 $0x5;
	s1 =	sand.u32 $0x1, s1;
	s2 =	sshll.u32 s2, $0x1  }
0x7: {  	[smem:$0x7FF] =	sst s4;
	s6 =	sadd.s32 $0x800, s0;
	s7 =	sadd.s32 $0xC3E00, s0  }
0x8: {  	s8 =	sadd.s32 $0xC4000, s0;
	s2 =	sor.u32 s1, s2;
	s1 =	ssub.s32 $0x2, s1  }
0x9: {  	_ =	strace $0x80000047;
	s5 =	smul.u32 $0x30D40, s2;
	s24 =	sshrl.u32 s1, $0x1  }
0xa: {  	[dreg:$0x4] =	wrdreg s7;
	s2 =	smul.u32 $0x6, s2;
	s0 =	ssub.s32 s1, s24  }
0xb: {  	s24 =	simm.s32 $0x2;
	s9 =	sadd.s32 $0x1F40, s5;
	s25 =	sshrl.u32 s5, $0x3  }
0xc: {  	s12 =	sadd.s32 $0x3E80, s5;
	s13 =	sadd.s32 $0x5DC0, s5;
	s14 =	sadd.s32 $0x7D00, s5  }
0xd: {  	s2 =	sadd.s32 s8, s2;
	s0 =	smax.u32 s0, $0x1;
	s26 =	sshrl.u32 s9, $0x3  }
0xe: {  	s10 =	sadd.s32 s6, s25;
	[dreg:$0x5] =	wrdreg s2;
	s29 =	sshrl.u32 s12, $0x3  }
0xf: {  	s1 =	sadd.s32 s3, s25;
	[dreg:$0x8] =	wrdreg s0;
	s25 =	simm.s32 $0x1C600  }
0x10: {  	s0 =	simm.s32 $0x6;
	s11 =	sadd.s32 s6, s26;
	s2 =	sadd.s32 s6, s29  }
0x11: {  	v1 =	vimm.f32 $1.000000000e+00;
	s1 =	sadd.s32 $0x5DC0, s1;
	s26 =	simm.s32 $0x3;
	[dreg:$0x6] =	wrdreg s2  }
0x12: {  	v0 =	vimm.f32 $0.0e+00;
	v1 =	vand.u32 $0x7FFFFFFF, v1;
	[dreg:$0x7] =	wrdreg s1;
	s2 =	simm.s32 $0x7;
	s1 =	simm.s32 $0x0  }
.LBB2_1:
0x13: {  	s7 =	rddreg [dreg:$0x0]  }
0x14: {  	[tilespmem:s4], [sflag:$0x1] =	stream.linear.gather [hbm4b:s7+s4], $0x18700, $0x38;
	[tilespmem:$0x1EC80] =	vst v63  }
0x15: {  	_ = 	snop  }
0x16: {  	[tilespmem:s19], [sflag:$0x2] =	stream.linear.gather [hbm4b:s10+s4], $0x1F40, $0x38;
	[tilespmem:$0x1EC80] =	vst v63  }
0x17: {  	_ = 	snop  }
0x18: {  	[tilespmem:s20], [sflag:$0x3] =	stream.linear.gather [hbm4b:s11+s4], $0x1F40, $0x38;
	[tilespmem:$0x1EC80] =	vst v63  }
0x19: {  	s29 =	rddreg [dreg:$0x4];
	s15 =	simm.s32 $0x1EC00  }
0x1a: {  	[tilespmem:s15], [sflag:$0x8] =	stream.linear.gather [hbm4b:s29+s4], $0x80, $0x38;
	[tilespmem:$0x1EC80] =	vst v63  }
0x1b: {  	_ =	swait.ge [sflag:s22], $0x80  }
0x1c: {  	[sflag:s22] =	ssyncset.done $0x0  }
0x1d: {  	[sflag:s22] =	ssyncadd.s32 $0xFFFFFF80  }
0x1e: {  	v2 =	vimm.f32 $+Inf;
	v3 =	vimm.f32 $-Inf;
	_ =	swait.ge [sflag:s23], $0x18700  }
0x1f: {  	v4 =	vimm.f32 $-Inf;
	v9 =	vimm.f32 $+Inf;
	v12 =	vimm.f32 $-Inf;
	[sflag:s23] =	ssyncset.done $0x0  }
0x20: {  	v14 =	vimm.f32 $+Inf;
	v6 =	vimm.f32 $-Inf;
	v10 =	vimm.f32 $+Inf;
	s21 =	simm.s32 $0x0;
	[sflag:s23] =	ssyncadd.s32 $0xFFFE7900  }
.LBB2_2:
0x21: {  	s29 =	smul.u32 $0x5DC0, s21;
	_ =	sdelay $0x1  }
0x22: {  	_ =	swait.ge [sflag:s24], $0x1F40;
	s7 =	sadd.s32 s29, s12  }
0x23: {  	[sflag:s24] =	ssyncset.done $0x0;
	s7 =	sshrl.u32 s7, $0x3  }
0x24: {  	s15 =	simm.s32 $0x18760;
	[sflag:s24] =	ssyncadd.s32 $0xFFFFE0C0;
	s7 =	sadd.s32 s6, s7  }
0x25: {  	[tilespmem:s25], [sflag:$0x4] =	stream.linear.gather [hbm4b:s7+s4], $0x1F40, $0x38;
	[tilespmem:$0x1EC80] =	vst v63  }
0x26: {  	v5 =	vld [tilespmem:s15+$0x60]  }
0x27: {  	v7 =	vld [tilespmem:s15+$0x20]  }
0x28: {  	v8 =	vld [tilespmem:s15+$0x30]  }
0x29: {  	v11 =	vld [tilespmem:s15+$0x40]  }
0x2a: {  	v18 =	vld [tilespmem:s15+$0x50]  }
0x2b: {  	v13 =	vld [tilespmem:s15+$0xFFFFFFE0]  }
0x2c: {  	v15 =	vld [tilespmem:s15+$0xFFFFFFF0]  }
0x2d: {  	v16 =	vld [tilespmem:s15+$0x0]  }
0x2e: {  	v19 =	vld [tilespmem:s15+$0x10]  }
0x2f: {  	v17 =	vld [tilespmem:s15+$0xFFFFFFA0]  }
0x30: {  	v20 =	vld [tilespmem:s15+$0xFFFFFFB0]  }
0x31: {  	s7 =	simm.s32 $0xC0;
	v21 =	vld [tilespmem:s15+$0xFFFFFFC0]  }
0x32: {  	v22 =	vld [tilespmem:s15+$0xFFFFFFD0];
	s16 =	sor.u32 $0x50, s7  }
0x33: {  	s17 =	sor.u32 $0x60, s7;
	v23 =	vld [tilespmem:s16+$0x18700]  }
0x34: {  	s18 =	sor.u32 $0x70, s7;
	v24 =	vld [tilespmem:s17+$0x18700]  }
0x35: {  	v25 =	vld [tilespmem:s18+$0x18700]  }
0x36: {  	v26 =	vld.idx.msk [tilespmem:v5+s4+$0x0], $0xffff  }
0x37: {  	v7 =	vld.idx.msk [tilespmem:v7+s4+$0x0], $0xffff  }
0x38: {  	v5 =	vld.idx.msk [tilespmem:v8+s4+$0x0], $0xffff  }
0x39: {  	v8 =	vld.idx.msk [tilespmem:v11+s4+$0x0], $0xffff  }
0x3a: {  	v17 =	vld.idx.msk [tilespmem:v17+s4+$0x0], $0xffff  }
0x3b: {  	v27 =	vld.idx.msk [tilespmem:v13+s4+$0x0], $0xffff  }
0x3c: {  	v28 =	vld.idx.msk [tilespmem:v15+s4+$0x0], $0xffff  }
0x3d: {  	v20 =	vld.idx.msk [tilespmem:v20+s4+$0x0], $0xffff  }
0x3e: {  	v13 =	vld.idx.msk [tilespmem:v21+s4+$0x0], $0xffff  }
0x3f: {  	v11 =	vld.idx.msk [tilespmem:v16+s4+$0x0], $0xffff  }
0x40: {  	v16 =	vld.idx.msk [tilespmem:v23+s4+$0x0], $0xffff  }
0x41: {  	v10 =	vmin.f32 v10, v17;
	v6 =	vmax.f32 v6, v17;
	v17 =	vld.idx.msk [tilespmem:v22+s4+$0x0], $0xffff  }
0x42: {  	v14 =	vmin.f32 v14, v20;
	v15 =	vmin.f32 v10, v27;
	v6 =	vmax.f32 v6, v27;
	v10 =	vld.idx.msk [tilespmem:v24+s4+$0x0], $0xffff  }
0x43: {  	v63 =	vmin.f32 v15, v7;
	v6 =	vmax.f32 v6, v7;
	v15 =	vld.idx.msk [tilespmem:v19+s4+$0x0], $0xffff;
	v19 =	vmax.f32 v12, v20  }
0x44: {  	v20 =	vmin.f32 v9, v13;
	v12 =	vld.idx.msk [tilespmem:v18+s4+$0x0], $0xffff;
	v9 =	vmin.f32 v14, v28;
	v7 =	vmin.f32 v63, v26  }
0x45: {  	s15 =	simm.s32 $0x0;
	s16 =	simm.s32 $0x18860;
	v14 =	vld.idx.msk [tilespmem:v25+s4+$0x0], $0xffff;
	v6 =	vmax.f32 v6, v26;
	v19 =	vmax.f32 v19, v28;
	v18 =	vmin.f32 v20, v11  }
.LBB2_3:
0x46: {  	v20 =	vld [tilespmem:s16+$0x60];
	v9 =	vmin.f32 v9, v5;
	v5 =	vmax.f32 v19, v5;
	v18 =	vmin.f32 v18, v8  }
0x47: {  	v19 =	vld [tilespmem:s16+$0x20];
	v9 =	vmin.f32 v9, v16;
	v21 =	vmax.f32 v5, v16;
	v18 =	vmin.f32 v18, v10  }
0x48: {  	v4 =	vmax.f32 v4, v13;
	v2 =	vmin.f32 v2, v17;
	v3 =	vmax.f32 v3, v17;
	v5 =	vld [tilespmem:s16+$0x30]  }
0x49: {  	v4 =	vmax.f32 v4, v11;
	v2 =	vmin.f32 v2, v15;
	v3 =	vmax.f32 v3, v15;
	v13 =	vld [tilespmem:s16+$0x40]  }
0x4a: {  	v4 =	vmax.f32 v4, v8;
	v2 =	vmin.f32 v2, v12;
	v3 =	vmax.f32 v3, v12;
	v22 =	vld [tilespmem:s16+$0x50]  }
0x4b: {  	v4 =	vmax.f32 v4, v10;
	v2 =	vmin.f32 v2, v14;
	v3 =	vmax.f32 v3, v14;
	v11 =	vld [tilespmem:s16+$0xFFFFFFE0]  }
0x4c: {  	v10 =	vld [tilespmem:s16+$0xFFFFFFF0]  }
0x4d: {  	v12 =	vld [tilespmem:s16+$0x0]  }
0x4e: {  	v14 =	vld [tilespmem:s16+$0x10]  }
0x4f: {  	v15 =	vld [tilespmem:s16+$0xFFFFFFA0]  }
0x50: {  	v16 =	vld [tilespmem:s16+$0xFFFFFFB0]  }
0x51: {  	s7 =	sadd.s32 $0x100, s7;
	v17 =	vld [tilespmem:s16+$0xFFFFFFC0]  }
0x52: {  	s17 =	sor.u32 $0x50, s7;
	v23 =	vld [tilespmem:s16+$0xFFFFFFD0]  }
0x53: {  	v24 =	vld [tilespmem:s17+$0x18700];
	s17 =	sor.u32 $0x60, s7  }
0x54: {  	v25 =	vld [tilespmem:s17+$0x18700];
	s17 =	sor.u32 $0x70, s7  }
0x55: {  	v26 =	vld [tilespmem:s17+$0x18700]  }
0x56: {  	v20 =	vld.idx.msk [tilespmem:v20+s4+$0x0], $0xffff  }
0x57: {  	v19 =	vld.idx.msk [tilespmem:v19+s4+$0x0], $0xffff  }
0x58: {  	v5 =	vld.idx.msk [tilespmem:v5+s4+$0x0], $0xffff  }
0x59: {  	v8 =	vld.idx.msk [tilespmem:v13+s4+$0x0], $0xffff  }
0x5a: {  	s15 =	sadd.s32 $0x4, s15;
	v15 =	vld.idx.msk [tilespmem:v15+s4+$0x0], $0xffff  }
0x5b: {  	p0 =	slt.u32 s15, $0x78;
	v27 =	vld.idx.msk [tilespmem:v11+s4+$0x0], $0xffff  }
0x5c: {  	v28 =	vld.idx.msk [tilespmem:v10+s4+$0x0], $0xffff  }
0x5d: {  	v29 =	vld.idx.msk [tilespmem:v16+s4+$0x0], $0xffff  }
0x5e: {  	v13 =	vld.idx.msk [tilespmem:v17+s4+$0x0], $0xffff  }
0x5f: {  	v11 =	vld.idx.msk [tilespmem:v12+s4+$0x0], $0xffff  }
0x60: {  	v7 =	vmin.f32 v7, v15;
	v6 =	vmax.f32 v6, v15;
	v16 =	vld.idx.msk [tilespmem:v24+s4+$0x0], $0xffff  }
.Ltmp0:
0x61: {  	v7 =	vmin.f32 v7, v27;
	v6 =	vmax.f32 v6, v27;
	v10 =	vld.idx.msk [tilespmem:v25+s4+$0x0], $0xffff;
	(pc) =	sbr.rel @p0 .LBB2_3-.Ltmp0, $4  }
0x62: {  	v7 =	vmin.f32 v7, v19;
	v6 =	vmax.f32 v6, v19;
	v17 =	vld.idx.msk [tilespmem:v23+s4+$0x0], $0xffff  }
0x63: {  	v7 =	vmin.f32 v7, v20;
	v6 =	vmax.f32 v6, v20;
	v15 =	vld.idx.msk [tilespmem:v14+s4+$0x0], $0xffff  }
0x64: {  	v9 =	vmin.f32 v9, v29;
	v14 =	vmax.f32 v21, v29;
	v18 =	vmin.f32 v18, v13;
	v12 =	vld.idx.msk [tilespmem:v22+s4+$0x0], $0xffff  }
0x65: {  	s16 =	sadd.s32 $0x100, s16;
	v9 =	vmin.f32 v9, v28;
	v19 =	vmax.f32 v14, v28;
	v18 =	vmin.f32 v18, v11;
	v14 =	vld.idx.msk [tilespmem:v26+s4+$0x0], $0xffff  }
0x66: {  	v20 =	vld [tilespmem:$0x1A600]  }
0x67: {  	v21 =	vld [tilespmem:$0x1A610]  }
0x68: {  	v22 =	vld [tilespmem:$0x1A620]  }
0x69: {  	v23 =	vld [tilespmem:$0x1A630];
	_ =	sdelay $0x4  }
0x6a: {  	v20 =	vld.idx.msk [tilespmem:v20+s4+$0x0], $0xffff  }
0x6b: {  	v21 =	vld.idx.msk [tilespmem:v21+s4+$0x0], $0xffff  }
0x6c: {  	v22 =	vld.idx.msk [tilespmem:v22+s4+$0x0], $0xffff  }
0x6d: {  	s7 =	sadd.s32 s29, s13;
	v23 =	vld.idx.msk [tilespmem:v23+s4+$0x0], $0xffff;
	_ =	swait.ge [sflag:s26], $0x1F40  }
0x6e: {  	s7 =	sshrl.u32 s7, $0x3;
	[sflag:s26] =	ssyncset.done $0x0  }
0x6f: {  	s15 =	simm.s32 $0x1A6E0;
	s7 =	sadd.s32 s6, s7;
	[sflag:s26] =	ssyncadd.s32 $0xFFFFE0C0  }
0x70: {  	[tilespmem:s19], [sflag:$0x2] =	stream.linear.gather [hbm4b:s7+s4], $0x1F40, $0x38;
	[tilespmem:$0x1EC80] =	vst v63  }
0x71: {  	v24 =	vld [tilespmem:s15+$0x60]  }
0x72: {  	v25 =	vld [tilespmem:s15+$0x20]  }
0x73: {  	v26 =	vld [tilespmem:s15+$0x30]  }
0x74: {  	v27 =	vld [tilespmem:s15+$0x40]  }
0x75: {  	v28 =	vld [tilespmem:s15+$0x50]  }
0x76: {  	v29 =	vld [tilespmem:s15+$0xFFFFFFE0]  }
0x77: {  	v30 =	vld [tilespmem:s15+$0xFFFFFFF0]  }
0x78: {  	v31 =	vld [tilespmem:s15+$0x0]  }
0x79: {  	v32 =	vld [tilespmem:s15+$0x10]  }
0x7a: {  	v33 =	vld [tilespmem:s15+$0xFFFFFFA0]  }
0x7b: {  	v34 =	vld [tilespmem:s15+$0xFFFFFFB0]  }
0x7c: {  	s7 =	simm.s32 $0xC0;
	v35 =	vld [tilespmem:s15+$0xFFFFFFC0]  }
0x7d: {  	v36 =	vld [tilespmem:s15+$0xFFFFFFD0];
	s16 =	sor.u32 $0x50, s7  }
0x7e: {  	s17 =	sor.u32 $0x60, s7;
	v37 =	vld [tilespmem:s16+$0x1A680]  }
0x7f: {  	s18 =	sor.u32 $0x70, s7;
	v38 =	vld [tilespmem:s17+$0x1A680]  }
0x80: {  	v39 =	vld [tilespmem:s18+$0x1A680]  }
0x81: {  	v24 =	vld.idx.msk [tilespmem:v24+s4+$0x0], $0xffff  }
0x82: {  	v25 =	vld.idx.msk [tilespmem:v25+s4+$0x0], $0xffff  }
0x83: {  	v40 =	vmin.f32 v9, v5;
	v5 =	vmax.f32 v19, v5;
	v9 =	vld.idx.msk [tilespmem:v26+s4+$0x0], $0xffff  }
0x84: {  	v4 =	vmax.f32 v4, v13;
	v19 =	vmin.f32 v40, v16;
	v16 =	vmax.f32 v5, v16;
	v5 =	vld.idx.msk [tilespmem:v27+s4+$0x0], $0xffff  }
0x85: {  	v2 =	vmin.f32 v2, v17;
	v3 =	vmax.f32 v3, v17;
	v4 =	vmax.f32 v4, v11;
	v13 =	vld.idx.msk [tilespmem:v33+s4+$0x0], $0xffff  }
0x86: {  	v11 =	vmin.f32 v18, v8;
	v2 =	vmin.f32 v2, v15;
	v3 =	vmax.f32 v3, v15;
	v15 =	vld.idx.msk [tilespmem:v29+s4+$0x0], $0xffff  }
0x87: {  	v4 =	vmax.f32 v4, v8;
	v8 =	vmin.f32 v11, v10;
	v18 =	vld.idx.msk [tilespmem:v34+s4+$0x0], $0xffff  }
0x88: {  	v2 =	vmin.f32 v2, v12;
	v3 =	vmax.f32 v3, v12;
	v4 =	vmax.f32 v4, v10;
	v12 =	vld.idx.msk [tilespmem:v35+s4+$0x0], $0xffff  }
0x89: {  	v2 =	vmin.f32 v2, v14;
	v3 =	vmax.f32 v3, v14;
	v7 =	vmin.f32 v7, v20;
	v17 =	vld.idx.msk [tilespmem:v30+s4+$0x0], $0xffff  }
0x8a: {  	v6 =	vmax.f32 v6, v20;
	v19 =	vmin.f32 v19, v21;
	v16 =	vmax.f32 v16, v21;
	v11 =	vld.idx.msk [tilespmem:v31+s4+$0x0], $0xffff  }
0x8b: {  	v20 =	vmin.f32 v8, v22;
	v4 =	vmax.f32 v4, v22;
	v14 =	vld.idx.msk [tilespmem:v36+s4+$0x0], $0xffff;
	v7 =	vmin.f32 v7, v13  }
0x8c: {  	v8 =	vld.idx.msk [tilespmem:v37+s4+$0x0], $0xffff;
	v6 =	vmax.f32 v6, v13;
	v19 =	vmin.f32 v19, v18;
	v16 =	vmax.f32 v16, v18  }
0x8d: {  	v10 =	vld.idx.msk [tilespmem:v38+s4+$0x0], $0xffff;
	v20 =	vmin.f32 v20, v12;
	v7 =	vmin.f32 v7, v15;
	v13 =	vmax.f32 v6, v15  }
0x8e: {  	v6 =	vmin.f32 v2, v23;
	v18 =	vmin.f32 v19, v17;
	v19 =	vmax.f32 v16, v17;
	v16 =	vld.idx.msk [tilespmem:v39+s4+$0x0], $0xffff  }
0x8f: {  	v17 =	vmin.f32 v20, v11;
	v2 =	vmin.f32 v7, v25;
	v15 =	vmax.f32 v13, v25;
	v13 =	vld.idx.msk [tilespmem:v32+s4+$0x0], $0xffff  }
0x90: {  	s15 =	simm.s32 $0x0;
	s16 =	simm.s32 $0x1A7E0;
	v7 =	vmax.f32 v3, v23;
	v3 =	vmin.f32 v2, v24;
	v2 =	vmax.f32 v15, v24;
	v15 =	vld.idx.msk [tilespmem:v28+s4+$0x0], $0xffff  }
.LBB2_5:
0x91: {  	v20 =	vld [tilespmem:s16+$0x60];
	v18 =	vmin.f32 v18, v9;
	v9 =	vmax.f32 v19, v9;
	v17 =	vmin.f32 v17, v5  }
0x92: {  	v19 =	vld [tilespmem:s16+$0x20];
	v18 =	vmin.f32 v18, v8;
	v21 =	vmax.f32 v9, v8;
	v17 =	vmin.f32 v17, v10  }
0x93: {  	v4 =	vmax.f32 v4, v12;
	v6 =	vmin.f32 v6, v14;
	v7 =	vmax.f32 v7, v14;
	v8 =	vld [tilespmem:s16+$0x30]  }
0x94: {  	v4 =	vmax.f32 v4, v11;
	v6 =	vmin.f32 v6, v13;
	v7 =	vmax.f32 v7, v13;
	v12 =	vld [tilespmem:s16+$0x40]  }
0x95: {  	v4 =	vmax.f32 v4, v5;
	v5 =	vmin.f32 v6, v15;
	v7 =	vmax.f32 v7, v15;
	v22 =	vld [tilespmem:s16+$0x50]  }
0x96: {  	v4 =	vmax.f32 v4, v10;
	v6 =	vmin.f32 v5, v16;
	v7 =	vmax.f32 v7, v16;
	v11 =	vld [tilespmem:s16+$0xFFFFFFE0]  }
0x97: {  	v10 =	vld [tilespmem:s16+$0xFFFFFFF0]  }
0x98: {  	v13 =	vld [tilespmem:s16+$0x0]  }
0x99: {  	v15 =	vld [tilespmem:s16+$0x10]  }
0x9a: {  	v14 =	vld [tilespmem:s16+$0xFFFFFFA0]  }
0x9b: {  	v16 =	vld [tilespmem:s16+$0xFFFFFFB0]  }
0x9c: {  	s7 =	sadd.s32 $0x100, s7;
	v23 =	vld [tilespmem:s16+$0xFFFFFFC0]  }
0x9d: {  	s17 =	sor.u32 $0x50, s7;
	v24 =	vld [tilespmem:s16+$0xFFFFFFD0]  }
0x9e: {  	v25 =	vld [tilespmem:s17+$0x1A680];
	s17 =	sor.u32 $0x60, s7  }
0x9f: {  	v26 =	vld [tilespmem:s17+$0x1A680];
	s17 =	sor.u32 $0x70, s7  }
0xa0: {  	v27 =	vld [tilespmem:s17+$0x1A680]  }
0xa1: {  	v20 =	vld.idx.msk [tilespmem:v20+s4+$0x0], $0xffff  }
0xa2: {  	v19 =	vld.idx.msk [tilespmem:v19+s4+$0x0], $0xffff  }
0xa3: {  	v9 =	vld.idx.msk [tilespmem:v8+s4+$0x0], $0xffff  }
0xa4: {  	v5 =	vld.idx.msk [tilespmem:v12+s4+$0x0], $0xffff  }
0xa5: {  	s15 =	sadd.s32 $0x4, s15;
	v8 =	vld.idx.msk [tilespmem:v14+s4+$0x0], $0xffff  }
0xa6: {  	p0 =	slt.u32 s15, $0x78;
	v14 =	vld.idx.msk [tilespmem:v11+s4+$0x0], $0xffff  }
0xa7: {  	v28 =	vld.idx.msk [tilespmem:v10+s4+$0x0], $0xffff  }
0xa8: {  	v16 =	vld.idx.msk [tilespmem:v16+s4+$0x0], $0xffff  }
0xa9: {  	v12 =	vld.idx.msk [tilespmem:v23+s4+$0x0], $0xffff  }
0xaa: {  	v11 =	vld.idx.msk [tilespmem:v13+s4+$0x0], $0xffff  }
0xab: {  	v3 =	vmin.f32 v3, v8;
	v2 =	vmax.f32 v2, v8;
	v8 =	vld.idx.msk [tilespmem:v25+s4+$0x0], $0xffff  }
.Ltmp1:
0xac: {  	v3 =	vmin.f32 v3, v14;
	v2 =	vmax.f32 v2, v14;
	v10 =	vld.idx.msk [tilespmem:v26+s4+$0x0], $0xffff;
	(pc) =	sbr.rel @p0 .LBB2_5-.Ltmp1, $4  }
0xad: {  	v3 =	vmin.f32 v3, v19;
	v2 =	vmax.f32 v2, v19;
	v14 =	vld.idx.msk [tilespmem:v24+s4+$0x0], $0xffff  }
0xae: {  	v3 =	vmin.f32 v3, v20;
	v2 =	vmax.f32 v2, v20;
	v13 =	vld.idx.msk [tilespmem:v15+s4+$0x0], $0xffff  }
0xaf: {  	v18 =	vmin.f32 v18, v16;
	v16 =	vmax.f32 v21, v16;
	v17 =	vmin.f32 v17, v12;
	v15 =	vld.idx.msk [tilespmem:v22+s4+$0x0], $0xffff  }
0xb0: {  	s16 =	sadd.s32 $0x100, s16;
	v18 =	vmin.f32 v18, v28;
	v19 =	vmax.f32 v16, v28;
	v17 =	vmin.f32 v17, v11;
	v16 =	vld.idx.msk [tilespmem:v27+s4+$0x0], $0xffff  }
0xb1: {  	v20 =	vld [tilespmem:$0x1C580]  }
0xb2: {  	v21 =	vld [tilespmem:$0x1C590]  }
0xb3: {  	v22 =	vld [tilespmem:$0x1C5A0]  }
0xb4: {  	v23 =	vld [tilespmem:$0x1C5B0];
	_ =	sdelay $0x4  }
0xb5: {  	v20 =	vld.idx.msk [tilespmem:v20+s4+$0x0], $0xffff  }
0xb6: {  	v21 =	vld.idx.msk [tilespmem:v21+s4+$0x0], $0xffff  }
0xb7: {  	p0 =	seq.s32 s21, $0x7;
	v22 =	vld.idx.msk [tilespmem:v22+s4+$0x0], $0xffff  }
0xb8: {  	s7 =	sadd.s32 @!p0 s29, s14;
	v23 =	vld.idx.msk [tilespmem:v23+s4+$0x0], $0xffff;
	_ =	swait.ge [sflag:s28], $0x1F40  }
0xb9: {  	s15 =	simm.s32 @!p0 $0x0;
	s7 =	sshrl.u32 @!p0 s7, $0x3;
	[sflag:s28] =	ssyncset.done $0x0  }
0xba: {  	s16 =	simm.s32 @!p0 $0x1A680;
	s7 =	sadd.s32 @!p0 s6, s7;
	[sflag:s28] =	ssyncadd.s32 $0xFFFFE0C0  }
0xbb: {  	[tilespmem:s16], [sflag:$0x3] =	stream.linear.gather @!p0 [hbm4b:s7+s15], $0x1F40, $0x38;
	[tilespmem:$0x1EC80] =	vst v63  }
0xbc: {  	s16 =	simm.s32 $0x1C660  }
0xbd: {  	v24 =	vld [tilespmem:s16+$0x60]  }
0xbe: {  	v25 =	vld [tilespmem:s16+$0x20]  }
0xbf: {  	v26 =	vld [tilespmem:s16+$0x30]  }
0xc0: {  	v27 =	vld [tilespmem:s16+$0x40]  }
0xc1: {  	v28 =	vld [tilespmem:s16+$0x50]  }
0xc2: {  	v29 =	vld [tilespmem:s16+$0xFFFFFFE0]  }
0xc3: {  	v30 =	vld [tilespmem:s16+$0xFFFFFFF0]  }
0xc4: {  	v31 =	vld [tilespmem:s16+$0x0]  }
0xc5: {  	v32 =	vld [tilespmem:s16+$0x10]  }
0xc6: {  	v33 =	vld [tilespmem:s16+$0xFFFFFFA0]  }
0xc7: {  	v34 =	vld [tilespmem:s16+$0xFFFFFFB0]  }
0xc8: {  	s7 =	simm.s32 $0xC0;
	v35 =	vld [tilespmem:s16+$0xFFFFFFC0]  }
0xc9: {  	v36 =	vld [tilespmem:s16+$0xFFFFFFD0];
	s17 =	sor.u32 $0x50, s7  }
0xca: {  	s18 =	sor.u32 $0x60, s7;
	v37 =	vld [tilespmem:s17+$0x1C600]  }
0xcb: {  	s29 =	sor.u32 $0x70, s7;
	v38 =	vld [tilespmem:s18+$0x1C600]  }
0xcc: {  	v39 =	vld [tilespmem:s29+$0x1C600]  }
0xcd: {  	v24 =	vld.idx.msk [tilespmem:v24+s4+$0x0], $0xffff  }
0xce: {  	v25 =	vld.idx.msk [tilespmem:v25+s4+$0x0], $0xffff  }
0xcf: {  	v18 =	vmin.f32 v18, v9;
	v19 =	vmax.f32 v19, v9;
	v9 =	vld.idx.msk [tilespmem:v26+s4+$0x0], $0xffff  }
0xd0: {  	v18 =	vmin.f32 v18, v8;
	v19 =	vmax.f32 v19, v8;
	v8 =	vld.idx.msk [tilespmem:v27+s4+$0x0], $0xffff  }
0xd1: {  	v4 =	vmax.f32 v4, v12;
	v6 =	vmin.f32 v6, v14;
	v7 =	vmax.f32 v7, v14;
	v12 =	vld.idx.msk [tilespmem:v33+s4+$0x0], $0xffff  }
0xd2: {  	v4 =	vmax.f32 v4, v11;
	v11 =	vmin.f32 v17, v5;
	v6 =	vmin.f32 v6, v13;
	v14 =	vld.idx.msk [tilespmem:v29+s4+$0x0], $0xffff  }
0xd3: {  	v7 =	vmax.f32 v7, v13;
	v4 =	vmax.f32 v4, v5;
	v5 =	vmin.f32 v6, v15;
	v17 =	vld.idx.msk [tilespmem:v30+s4+$0x0], $0xffff  }
0xd4: {  	v6 =	vmax.f32 v7, v15;
	v7 =	vmin.f32 v11, v10;
	v4 =	vmax.f32 v4, v10;
	v15 =	vld.idx.msk [tilespmem:v34+s4+$0x0], $0xffff  }
0xd5: {  	v5 =	vmin.f32 v5, v16;
	v6 =	vmax.f32 v6, v16;
	v3 =	vmin.f32 v3, v20;
	v11 =	vld.idx.msk [tilespmem:v35+s4+$0x0], $0xffff  }
0xd6: {  	v2 =	vmax.f32 v2, v20;
	v16 =	vmin.f32 v18, v21;
	v18 =	vmax.f32 v19, v21;
	v10 =	vld.idx.msk [tilespmem:v31+s4+$0x0], $0xffff  }
0xd7: {  	v19 =	vmin.f32 v7, v22;
	v4 =	vmax.f32 v4, v22;
	v5 =	vmin.f32 v5, v23;
	v13 =	vld.idx.msk [tilespmem:v37+s4+$0x0], $0xffff  }
0xd8: {  	v6 =	vmax.f32 v6, v23;
	v7 =	vld.idx.msk [tilespmem:v38+s4+$0x0], $0xffff;
	v3 =	vmin.f32 v3, v12;
	v2 =	vmax.f32 v2, v12  }
0xd9: {  	v12 =	vld.idx.msk [tilespmem:v32+s4+$0x0], $0xffff;
	v16 =	vmin.f32 v16, v15;
	v3 =	vmin.f32 v3, v14;
	v2 =	vmax.f32 v2, v14  }
0xda: {  	v63 =	vmin.f32 v19, v11;
	v14 =	vld.idx.msk [tilespmem:v36+s4+$0x0], $0xffff;
	v3 =	vmin.f32 v3, v25;
	v20 =	vmax.f32 v2, v25  }
0xdb: {  	v2 =	vmin.f32 v3, v24;
	v3 =	vmax.f32 v20, v24;
	v20 =	vmax.f32 v18, v15;
	v15 =	vld.idx.msk [tilespmem:v28+s4+$0x0], $0xffff  }
0xdc: {  	s15 =	simm.s32 $0x0;
	s16 =	simm.s32 $0x1C760;
	v18 =	vmin.f32 v16, v17;
	v16 =	vld.idx.msk [tilespmem:v39+s4+$0x0], $0xffff;
	v19 =	vmax.f32 v20, v17;
	v17 =	vmin.f32 v63, v10  }
.LBB2_7:
0xdd: {  	v20 =	vld [tilespmem:s16+$0x60];
	v18 =	vmin.f32 v18, v9;
	v9 =	vmax.f32 v19, v9;
	v17 =	vmin.f32 v17, v8  }
0xde: {  	v19 =	vld [tilespmem:s16+$0x20];
	v18 =	vmin.f32 v18, v13;
	v21 =	vmax.f32 v9, v13;
	v17 =	vmin.f32 v17, v7  }
0xdf: {  	v4 =	vmax.f32 v4, v11;
	v5 =	vmin.f32 v5, v14;
	v6 =	vmax.f32 v6, v14;
	v9 =	vld [tilespmem:s16+$0x30]  }
0xe0: {  	v4 =	vmax.f32 v4, v10;
	v5 =	vmin.f32 v5, v12;
	v6 =	vmax.f32 v6, v12;
	v11 =	vld [tilespmem:s16+$0x40]  }
0xe1: {  	v4 =	vmax.f32 v4, v8;
	v5 =	vmin.f32 v5, v15;
	v6 =	vmax.f32 v6, v15;
	v22 =	vld [tilespmem:s16+$0x50]  }
0xe2: {  	v4 =	vmax.f32 v4, v7;
	v5 =	vmin.f32 v5, v16;
	v6 =	vmax.f32 v6, v16;
	v10 =	vld [tilespmem:s16+$0xFFFFFFE0]  }
0xe3: {  	v7 =	vld [tilespmem:s16+$0xFFFFFFF0]  }
0xe4: {  	v12 =	vld [tilespmem:s16+$0x0]  }
0xe5: {  	v15 =	vld [tilespmem:s16+$0x10]  }
0xe6: {  	v13 =	vld [tilespmem:s16+$0xFFFFFFA0]  }
0xe7: {  	v14 =	vld [tilespmem:s16+$0xFFFFFFB0]  }
0xe8: {  	s7 =	sadd.s32 $0x100, s7;
	v16 =	vld [tilespmem:s16+$0xFFFFFFC0]  }
0xe9: {  	s17 =	sor.u32 $0x50, s7;
	v23 =	vld [tilespmem:s16+$0xFFFFFFD0]  }
0xea: {  	v24 =	vld [tilespmem:s17+$0x1C600];
	s17 =	sor.u32 $0x60, s7  }
0xeb: {  	v25 =	vld [tilespmem:s17+$0x1C600];
	s17 =	sor.u32 $0x70, s7  }
0xec: {  	v26 =	vld [tilespmem:s17+$0x1C600]  }
0xed: {  	v20 =	vld.idx.msk [tilespmem:v20+s4+$0x0], $0xffff  }
0xee: {  	v19 =	vld.idx.msk [tilespmem:v19+s4+$0x0], $0xffff  }
0xef: {  	v9 =	vld.idx.msk [tilespmem:v9+s4+$0x0], $0xffff  }
0xf0: {  	v8 =	vld.idx.msk [tilespmem:v11+s4+$0x0], $0xffff  }
0xf1: {  	s15 =	sadd.s32 $0x4, s15;
	v13 =	vld.idx.msk [tilespmem:v13+s4+$0x0], $0xffff  }
0xf2: {  	p0 =	slt.u32 s15, $0x78;
	v27 =	vld.idx.msk [tilespmem:v10+s4+$0x0], $0xffff  }
0xf3: {  	v28 =	vld.idx.msk [tilespmem:v7+s4+$0x0], $0xffff  }
0xf4: {  	v29 =	vld.idx.msk [tilespmem:v14+s4+$0x0], $0xffff  }
0xf5: {  	v11 =	vld.idx.msk [tilespmem:v16+s4+$0x0], $0xffff  }
0xf6: {  	v10 =	vld.idx.msk [tilespmem:v12+s4+$0x0], $0xffff  }
0xf7: {  	v2 =	vmin.f32 v2, v13;
	v3 =	vmax.f32 v3, v13;
	v13 =	vld.idx.msk [tilespmem:v24+s4+$0x0], $0xffff  }
.Ltmp2:
0xf8: {  	v2 =	vmin.f32 v2, v27;
	v3 =	vmax.f32 v3, v27;
	v7 =	vld.idx.msk [tilespmem:v25+s4+$0x0], $0xffff;
	(pc) =	sbr.rel @p0 .LBB2_7-.Ltmp2, $4  }
0xf9: {  	v2 =	vmin.f32 v2, v19;
	v3 =	vmax.f32 v3, v19;
	v14 =	vld.idx.msk [tilespmem:v23+s4+$0x0], $0xffff  }
0xfa: {  	v2 =	vmin.f32 v2, v20;
	v3 =	vmax.f32 v3, v20;
	v12 =	vld.idx.msk [tilespmem:v15+s4+$0x0], $0xffff  }
0xfb: {  	v16 =	vmin.f32 v18, v29;
	v19 =	vmax.f32 v21, v29;
	v17 =	vmin.f32 v17, v11;
	v15 =	vld.idx.msk [tilespmem:v22+s4+$0x0], $0xffff  }
0xfc: {  	s16 =	sadd.s32 $0x100, s16;
	v18 =	vmin.f32 v16, v28;
	v19 =	vmax.f32 v19, v28;
	v17 =	vmin.f32 v17, v10;
	v16 =	vld.idx.msk [tilespmem:v26+s4+$0x0], $0xffff  }
0xfd: {  	v20 =	vld [tilespmem:$0x1E500]  }
0xfe: {  	v21 =	vld [tilespmem:$0x1E510]  }
0xff: {  	v22 =	vld [tilespmem:$0x1E520]  }
0x100: {  	v23 =	vld [tilespmem:$0x1E530];
	_ =	sdelay $0x4  }
0x101: {  	v18 =	vmin.f32 v18, v9;
	v9 =	vmax.f32 v19, v9;
	v61 =	vld.idx.msk [tilespmem:v20+s4+$0x0], $0xffff  }
0x102: {  	v4 =	vmax.f32 v4, v11;
	v18 =	vmin.f32 v18, v13;
	v9 =	vmax.f32 v9, v13;
	v11 =	vld.idx.msk [tilespmem:v21+s4+$0x0], $0xffff  }
0x103: {  	s21 =	sadd.s32 $0x1, s21;
	v5 =	vmin.f32 v5, v14;
	v6 =	vmax.f32 v6, v14;
	v13 =	vmin.f32 v17, v8;
	v62 =	vld.idx.msk [tilespmem:v22+s4+$0x0], $0xffff  }
0x104: {  	v4 =	vmax.f32 v4, v10;
	p0 =	sne.s32 s21, $0x8;
	v13 =	vmin.f32 v13, v7;
	v5 =	vmin.f32 v5, v12;
	v63 =	vld.idx.msk [tilespmem:v23+s4+$0x0], $0xffff  }
.Ltmp3:
0x105: {  	v6 =	vmax.f32 v6, v12;
	v4 =	vmax.f32 v4, v8;
	v5 =	vmin.f32 v5, v15;
	(pc) =	sbr.rel @p0 .LBB2_2-.Ltmp3, $4  }
0x106: {  	v6 =	vmax.f32 v6, v15;
	v4 =	vmax.f32 v4, v7;
	v5 =	vmin.f32 v5, v16  }
0x107: {  	v7 =	vmax.f32 v6, v16;
	v10 =	vmin.f32 v2, v61;
	v6 =	vmax.f32 v3, v61  }
0x108: {  	v14 =	vmin.f32 v18, v11;
	v12 =	vmax.f32 v9, v11;
	v9 =	vmin.f32 v13, v62  }
0x109: {  	v4 =	vmax.f32 v4, v62;
	v2 =	vmin.f32 v5, v63;
	v3 =	vmax.f32 v7, v63  }
0x10a: {  	_ =	swait.ge [sflag:s24], $0x1F40  }
0x10b: {  	[sflag:s24] =	ssyncset.done $0x0  }
0x10c: {  	s15 =	simm.s32 $0x18760;
	[sflag:s24] =	ssyncadd.s32 $0xFFFFE0C0  }
0x10d: {  	v5 =	vld [tilespmem:s15+$0x60]  }
0x10e: {  	v7 =	vld [tilespmem:s15+$0x20]  }
0x10f: {  	v8 =	vld [tilespmem:s15+$0x30]  }
0x110: {  	v13 =	vld [tilespmem:s15+$0x40]  }
0x111: {  	v18 =	vld [tilespmem:s15+$0x50]  }
0x112: {  	v15 =	vld [tilespmem:s15+$0xFFFFFFE0]  }
0x113: {  	v16 =	vld [tilespmem:s15+$0xFFFFFFF0]  }
0x114: {  	v17 =	vld [tilespmem:s15+$0x0]  }
0x115: {  	v19 =	vld [tilespmem:s15+$0x10]  }
0x116: {  	v20 =	vld [tilespmem:s15+$0xFFFFFFA0]  }
0x117: {  	v21 =	vld [tilespmem:s15+$0xFFFFFFB0]  }
0x118: {  	s7 =	simm.s32 $0xC0;
	v22 =	vld [tilespmem:s15+$0xFFFFFFC0]  }
0x119: {  	s18 =	sor.u32 $0x50, s7;
	v23 =	vld [tilespmem:s15+$0xFFFFFFD0]  }
0x11a: {  	s21 =	sor.u32 $0x60, s7;
	v24 =	vld [tilespmem:s18+$0x18700]  }
0x11b: {  	s29 =	sor.u32 $0x70, s7;
	v25 =	vld [tilespmem:s21+$0x18700]  }
0x11c: {  	v26 =	vld [tilespmem:s29+$0x18700]  }
0x11d: {  	v27 =	vld.idx.msk [tilespmem:v5+s4+$0x0], $0xffff  }
0x11e: {  	v5 =	vld.idx.msk [tilespmem:v7+s4+$0x0], $0xffff  }
0x11f: {  	v11 =	vld.idx.msk [tilespmem:v8+s4+$0x0], $0xffff  }
0x120: {  	v7 =	vld.idx.msk [tilespmem:v13+s4+$0x0], $0xffff  }
0x121: {  	v8 =	vld.idx.msk [tilespmem:v20+s4+$0x0], $0xffff  }
0x122: {  	v20 =	vld.idx.msk [tilespmem:v15+s4+$0x0], $0xffff  }
0x123: {  	v28 =	vld.idx.msk [tilespmem:v16+s4+$0x0], $0xffff  }
0x124: {  	v21 =	vld.idx.msk [tilespmem:v21+s4+$0x0], $0xffff  }
0x125: {  	v15 =	vld.idx.msk [tilespmem:v22+s4+$0x0], $0xffff  }
0x126: {  	v13 =	vld.idx.msk [tilespmem:v17+s4+$0x0], $0xffff  }
0x127: {  	v16 =	vld.idx.msk [tilespmem:v24+s4+$0x0], $0xffff  }
0x128: {  	v17 =	vld.idx.msk [tilespmem:v23+s4+$0x0], $0xffff;
	v10 =	vmin.f32 v10, v8;
	v6 =	vmax.f32 v6, v8  }
0x129: {  	v8 =	vld.idx.msk [tilespmem:v25+s4+$0x0], $0xffff;
	v14 =	vmin.f32 v14, v21;
	v10 =	vmin.f32 v10, v20;
	v6 =	vmax.f32 v6, v20  }
0x12a: {  	v12 =	vmax.f32 v12, v21;
	v20 =	vmin.f32 v10, v5;
	v6 =	vmax.f32 v6, v5;
	v10 =	vld.idx.msk [tilespmem:v19+s4+$0x0], $0xffff  }
0x12b: {  	v19 =	vmax.f32 v12, v28;
	v12 =	vld.idx.msk [tilespmem:v26+s4+$0x0], $0xffff;
	v5 =	vmin.f32 v20, v27;
	v20 =	vmin.f32 v9, v15  }
0x12c: {  	s16 =	simm.s32 $0x18860;
	s15 =	simm.s32 $0x0;
	v6 =	vmax.f32 v6, v27;
	v9 =	vld.idx.msk [tilespmem:v18+s4+$0x0], $0xffff;
	v18 =	vmin.f32 v14, v28;
	v14 =	vmin.f32 v20, v13  }
.LBB2_10:
0x12d: {  	v20 =	vld [tilespmem:s16+$0x60];
	v18 =	vmin.f32 v18, v11;
	v11 =	vmax.f32 v19, v11;
	v14 =	vmin.f32 v14, v7  }
0x12e: {  	v19 =	vld [tilespmem:s16+$0x20];
	v18 =	vmin.f32 v18, v16;
	v21 =	vmax.f32 v11, v16;
	v14 =	vmin.f32 v14, v8  }
0x12f: {  	v4 =	vmax.f32 v4, v15;
	v2 =	vmin.f32 v2, v17;
	v3 =	vmax.f32 v3, v17;
	v11 =	vld [tilespmem:s16+$0x30]  }
0x130: {  	v4 =	vmax.f32 v4, v13;
	v2 =	vmin.f32 v2, v10;
	v3 =	vmax.f32 v3, v10;
	v15 =	vld [tilespmem:s16+$0x40]  }
0x131: {  	v4 =	vmax.f32 v4, v7;
	v2 =	vmin.f32 v2, v9;
	v3 =	vmax.f32 v3, v9;
	v22 =	vld [tilespmem:s16+$0x50]  }
0x132: {  	v4 =	vmax.f32 v4, v8;
	v2 =	vmin.f32 v2, v12;
	v3 =	vmax.f32 v3, v12;
	v9 =	vld [tilespmem:s16+$0xFFFFFFE0]  }
0x133: {  	v8 =	vld [tilespmem:s16+$0xFFFFFFF0]  }
0x134: {  	v10 =	vld [tilespmem:s16+$0x0]  }
0x135: {  	v12 =	vld [tilespmem:s16+$0x10]  }
0x136: {  	v13 =	vld [tilespmem:s16+$0xFFFFFFA0]  }
0x137: {  	v16 =	vld [tilespmem:s16+$0xFFFFFFB0]  }
0x138: {  	s7 =	sadd.s32 $0x100, s7;
	v17 =	vld [tilespmem:s16+$0xFFFFFFC0]  }
0x139: {  	s17 =	sor.u32 $0x50, s7;
	v23 =	vld [tilespmem:s16+$0xFFFFFFD0]  }
0x13a: {  	v24 =	vld [tilespmem:s17+$0x18700];
	s17 =	sor.u32 $0x60, s7  }
0x13b: {  	v25 =	vld [tilespmem:s17+$0x18700];
	s17 =	sor.u32 $0x70, s7  }
0x13c: {  	v26 =	vld [tilespmem:s17+$0x18700]  }
0x13d: {  	v20 =	vld.idx.msk [tilespmem:v20+s4+$0x0], $0xffff  }
0x13e: {  	v19 =	vld.idx.msk [tilespmem:v19+s4+$0x0], $0xffff  }
0x13f: {  	v11 =	vld.idx.msk [tilespmem:v11+s4+$0x0], $0xffff  }
0x140: {  	v7 =	vld.idx.msk [tilespmem:v15+s4+$0x0], $0xffff  }
0x141: {  	s15 =	sadd.s32 $0x4, s15;
	v27 =	vld.idx.msk [tilespmem:v13+s4+$0x0], $0xffff  }
0x142: {  	p0 =	slt.u32 s15, $0x78;
	v9 =	vld.idx.msk [tilespmem:v9+s4+$0x0], $0xffff  }
0x143: {  	v28 =	vld.idx.msk [tilespmem:v8+s4+$0x0], $0xffff  }
0x144: {  	v29 =	vld.idx.msk [tilespmem:v16+s4+$0x0], $0xffff  }
0x145: {  	v15 =	vld.idx.msk [tilespmem:v17+s4+$0x0], $0xffff  }
0x146: {  	v13 =	vld.idx.msk [tilespmem:v10+s4+$0x0], $0xffff  }
0x147: {  	v5 =	vmin.f32 v5, v27;
	v6 =	vmax.f32 v6, v27;
	v16 =	vld.idx.msk [tilespmem:v24+s4+$0x0], $0xffff  }
.Ltmp4:
0x148: {  	v5 =	vmin.f32 v5, v9;
	v6 =	vmax.f32 v6, v9;
	v8 =	vld.idx.msk [tilespmem:v25+s4+$0x0], $0xffff;
	(pc) =	sbr.rel @p0 .LBB2_10-.Ltmp4, $4  }
0x149: {  	v5 =	vmin.f32 v5, v19;
	v6 =	vmax.f32 v6, v19;
	v17 =	vld.idx.msk [tilespmem:v23+s4+$0x0], $0xffff  }
0x14a: {  	v5 =	vmin.f32 v5, v20;
	v6 =	vmax.f32 v6, v20;
	v10 =	vld.idx.msk [tilespmem:v12+s4+$0x0], $0xffff  }
0x14b: {  	v19 =	vmax.f32 v21, v29;
	v12 =	vmin.f32 v18, v29;
	v14 =	vmin.f32 v14, v15;
	v9 =	vld.idx.msk [tilespmem:v22+s4+$0x0], $0xffff  }
0x14c: {  	s16 =	sadd.s32 $0x100, s16;
	v19 =	vmax.f32 v19, v28;
	v18 =	vmin.f32 v12, v28;
	v14 =	vmin.f32 v14, v13;
	v12 =	vld.idx.msk [tilespmem:v26+s4+$0x0], $0xffff  }
0x14d: {  	v20 =	vld [tilespmem:$0x1A600]  }
0x14e: {  	v21 =	vld [tilespmem:$0x1A610]  }
0x14f: {  	v22 =	vld [tilespmem:$0x1A620]  }
0x150: {  	v23 =	vld [tilespmem:$0x1A630]  }
0x151: {  	v24 =	vld [tilespmem:$0x1EC10];
	_ =	sdelay $0x1  }
0x152: {  	v25 =	vld [tilespmem:$0x1EC00]  }
0x153: {  	v18 =	vmin.f32 v18, v11;
	v54 =	vmax.f32 v19, v11  }
0x154: {  	v4 =	vmax.f32 v4, v15;
	v59 =	vmin.f32 v14, v7;
	v18 =	vmin.f32 v18, v16;
	v55 =	vld.idx.msk [tilespmem:v20+s4+$0x0], $0xffff  }
0x155: {  	v11 =	vmax.f32 v54, v16;
	v2 =	vmin.f32 v2, v17;
	vm0 =	vgt.s32 v24, $0x0;
	v56 =	vld.idx.msk [tilespmem:v21+s4+$0x0], $0xffff  }
0x156: {  	v3 =	vmax.f32 v3, v17;
	v4 =	vmax.f32 v4, v13;
	v58 =	vnsel vm0, $0x0, v24;
	v57 =	vld.idx.msk [tilespmem:v22+s4+$0x0], $0xffff  }
0x157: {  	v2 =	vmin.f32 v2, v10;
	v3 =	vmax.f32 v3, v10;
	v4 =	vmax.f32 v4, v7;
	v7 =	vld.idx.msk [tilespmem:v23+s4+$0x0], $0xffff  }
0x158: {  	v10 =	vmin.f32 v59, v8;
	v2 =	vmin.f32 v2, v9;
	v3 =	vmax.f32 v3, v9  }
0x159: {  	v4 =	vmax.f32 v4, v8;
	v60 =	vmin.f32 v2, v12;
	v3 =	vmax.f32 v3, v12  }
0x15a: {  	v2 =	vld.idx.msk [tilespmem:v25+s4+$0x0], $0xffff;
	v5 =	vmin.f32 v5, v55;
	v6 =	vmax.f32 v6, v55;
	v61 =	vmin.f32 v18, v56  }
0x15b: {  	v62 =	vld.idx.msk [tilespmem:v58+s4+$0x0], $0xffff;
	v11 =	vmax.f32 v11, v56;
	v10 =	vmin.f32 v10, v57;
	v4 =	vmax.f32 v4, v57  }
0x15c: {  	v8 =	vmin.f32 v60, v7;
	v3 =	vmax.f32 v3, v7;
	v5 =	vmin.f32 v5, v61  }
0x15d: {  	v7 =	vmin.f32 v10, v8;
	v6 =	vmax.f32 v6, v11;
	v3 =	vmax.f32 v4, v3  }
0x15e: {  	v7 =	vmin.f32 v5, v7;
	v6 =	vmax.f32 v6, v3  }
0x15f: {  	vm15 =	vgt.s32 v24, $0xFFFFFFFF;
	v4 =	vmul.f32 $3.700000050e+00, v2;
	v5 =	vadd.f32 v6, v7  }
0x160: {  	v3 =	vnsel vm15, $0x0, v62  }
0x161: {  	v63 =	vadd.f32 v4, v5;
	v5 =	vmul.f32 $1.299999950e+00, v3;
	_ =	sdelay $0x1  }
0x162: {  	v8 =	vadd.f32 v5, v63;
	_ =	sdelay $0x1  }
0x163: {  	[tilespmem:$0x1EB80] =	vst v7;
	v7 =	vadd.f32 $1.234560010e+02, v8  }
0x164: {  	[tilespmem:$0x1EB90] =	vst v6  }
0x165: {  	s7 =	rddreg [dreg:$0x5];
	s15 =	simm.s32 $0x1EB80;
	[tilespmem:$0x1EBA0] =	vst v7  }
0x166: {  	[hbm4b:s7+s4] =	stream.linear.scatter [tilespmem:s15], [sflag:$0x8], $0x30, $0x38;
	[tilespmem:$0x1EC80] =	vst v63  }
0x167: {  	_ =	swait.ge [sflag:s22], $0x30  }
0x168: {  	[sflag:s22] =	ssyncset.done $0x0  }
0x169: {  	[sflag:s22] =	ssyncadd.s32 $0xFFFFFFD0  }
0x16a: {  	[tilespmem:s19], [sflag:$0x2] =	stream.linear.gather [hbm4b:s10+s4], $0x1F40, $0x38;
	[tilespmem:$0x1EC80] =	vst v63  }
0x16b: {  	_ = 	snop  }
0x16c: {  	[tilespmem:s20], [sflag:$0x3] =	stream.linear.gather [hbm4b:s11+s4], $0x1F40, $0x38;
	[tilespmem:$0x1EC80] =	vst v63  }
0x16d: {  	s29 =	rddreg [dreg:$0x6]  }
0x16e: {  	[tilespmem:s25], [sflag:$0x4] =	stream.linear.gather [hbm4b:s29+s4], $0x1F40, $0x38;
	[tilespmem:$0x1EC80] =	vst v63  }
.LBB2_12:
0x16f: {  	s7 =	simm.s32 $0x0  }
0x170: {  	[tilespmem:s30], [sflag:$0x8] =	stream.linear.gather [hbm4b:s8+s7], $0x600, $0x38;
	[tilespmem:$0x1EC80] =	vst v63  }
0x171: {  	_ =	swait.ge [sflag:s22], $0x600  }
0x172: {  	[sflag:s22] =	ssyncset.done $0x0  }
0x173: {  	s17 =	simm.s32 $0x0;
	[sflag:s22] =	ssyncadd.s32 $0xFFFFFA00  }
0x174: {  	v6 =	vld [tilespmem:s17+$0x1E580]  }
0x175: {  	v7 =	vld [tilespmem:s17+$0x1E590];
	_ =	sdelay $0x4  }
0x176: {  	v6 =	vadd.f32 v7, v6;
	_ =	sdelay $0x1  }
0x177: {  	v6 =	vadd.f32 v6, v4  }
0x178: {  	v7 =	vld [tilespmem:s17+$0x1E5A0]  }
0x179: {  	v6 =	vadd.f32 v6, v5  }
0x17a: {  	s18 =	simm.s32 $0x30  }
0x17b: {  	v8 =	vld [tilespmem:s18+$0x1E580];
	v6 =	vadd.f32 $1.234560010e+02, v6  }
0x17c: {  	s15 =	simm.s32 $0x60;
	v9 =	vld [tilespmem:s18+$0x1E590]  }
0x17d: {  	s16 =	simm.s32 $0x90;
	v10 =	vld [tilespmem:s15+$0x1E590];
	vm0 =	veq.f32 v7, v6  }
0x17e: {  	v11 =	vld [tilespmem:s16+$0x1E590];
	v7 =	vsel vm0, $0x3F800000, v0  }
0x17f: {  	v6 =	vld [tilespmem:s15+$0x1E580];
	(xrf0) =	vmin.scan.msk.f32 $0xffff, v7  }
0x180: {  	v7 =	vld [tilespmem:s16+$0x1E580];
	_ =	sdelay $0x2  }
0x181: {  	v8 =	vadd.f32 v9, v8  }
0x182: {  	s21 =	simm.s32 $0xC0;
	v9 =	vld [tilespmem:s18+$0x1E5A0];
	v6 =	vadd.f32 v10, v6  }
0x183: {  	v8 =	vadd.f32 v8, v4;
	v7 =	vadd.f32 v11, v7;
	v11 =	vld [tilespmem:s21+$0x1E590];
	v10, _, _ =	vpop (xrf0)  }
0x184: {  	v6 =	vadd.f32 v6, v4;
	(v2sf) =	vpush v10, $0xF;
	v10 =	vld [tilespmem:s21+$0x1E580]  }
0x185: {  	v12 =	vld [tilespmem:s15+$0x1E5A0];
	v8 =	vadd.f32 v8, v5;
	v7 =	vadd.f32 v7, v4  }
0x186: {  	v13 =	vld [tilespmem:s16+$0x1E5A0];
	v6 =	vadd.f32 v6, v5  }
0x187: {  	v8 =	vadd.f32 $1.234560010e+02, v8;
	v7 =	vadd.f32 v7, v5  }
0x188: {  	v6 =	vadd.f32 $1.234560010e+02, v6  }
0x189: {  	vm12 =	veq.f32 v9, v8;
	v7 =	vadd.f32 $1.234560010e+02, v7;
	v8 =	vadd.f32 v11, v10  }
0x18a: {  	v10 =	vsel vm12, $0x3F800000, v0  }
0x18b: {  	vm13 =	veq.f32 v12, v6;
	vm14 =	veq.f32 v13, v7;
	(xrf0) =	vmin.scan.msk.f32 $0xffff, v10;
	v7 =	vadd.f32 v8, v4  }
0x18c: {  	v11 =	vsel vm13, $0x3F800000, v0  }
0x18d: {  	(xrf0) =	vmin.scan.msk.f32 $0xffff, v11;
	v7 =	vadd.f32 v7, v5  }
0x18e: {  	v8 =	vld [tilespmem:s21+$0x1E5A0];
	v10 =	vsel vm14, $0x3F800000, v0  }
0x18f: {  	v7 =	vadd.f32 $1.234560010e+02, v7;
	_ =	sdelay $0x1  }
0x190: {  	(xrf0) =	vmin.scan.msk.f32 $0xffff, v10;
	v10, _, _ =	vpop (xrf0)  }
0x191: {  	s29 =	simm.s32 $0xF0;
	(v2sf) =	vpush v10, $0xF  }
0x192: {  	v9 =	vld [tilespmem:s29+$0x1E580];
	vm15 =	veq.f32 v8, v7;
	v7, _, _ =	vpop (xrf0)  }
0x193: {  	v6 =	vld [tilespmem:s29+$0x1E590];
	s17 =	spop (v2sf);
	(v2sf) =	vpush v7, $0xF;
	_ =	sdelay $0x3  }
0x194: {  	s7 =	simm.s32 $0x120  }
0x195: {  	v9 =	vadd.f32 v6, v9;
	v6 =	vld [tilespmem:s7+$0x1E580]  }
0x196: {  	v8 =	vld [tilespmem:s7+$0x1E590];
	v10 =	vsel vm15, $0x3F800000, v0  }
0x197: {  	v9 =	vadd.f32 v9, v4  }
0x198: {  	v7 =	vld [tilespmem:s29+$0x1E5A0];
	p1 =	sgt.f32 s17, $0.0e+00  }
0x199: {  	p0 =	por $0x1, $0x1;
	s15 =	simm.s32 $0x540;
	v9 =	vadd.f32 v9, v5;
	(xrf0) =	vmin.scan.msk.f32 $0xffff, v10;
	v10, _, _ =	vpop (xrf0)  }
.LBB2_13:
0x19a: {  	s16 =	sshra.s32 s15, $0x2;
	(v2sf) =	vpush v10, $0xF;
	p0 =	por !p0, !p1;
	p2 =	seq.s32 s15, $0x1740  }
.Ltmp5:
0x19b: {  	s15 =	sadd.s32 $0xC0, s15;
	v10 =	vadd.f32 v8, v6;
	v6 =	vld [tilespmem:s16+$0x1E580];
	v9 =	vadd.f32 $1.234560010e+02, v9;
	p0 =	por !p0, !p0;
	(pc) =	sbr.rel @!p2 .LBB2_13-.Ltmp5, $4  }
0x19c: {  	v8 =	vld [tilespmem:s16+$0x1E590]  }
0x19d: {  	v12 =	vadd.f32 v10, v4;
	vm0 =	veq.f32 v7, v9;
	s17 =	spop (v2sf)  }
0x19e: {  	v7 =	vld [tilespmem:s7+$0x1E5A0];
	v11 =	vsel vm0, $0x3F800000, v0;
	p1 =	sgt.f32 s17, $0.0e+00;
	s7 =	smov.u32 s16  }
0x19f: {  	v9 =	vadd.f32 v12, v5;
	(xrf0) =	vmin.scan.msk.f32 $0xffff, v11;
	v10, _, _ =	vpop (xrf0)  }
0x1a0: {  	_ = 	snop  }
0x1a1: {  	v6 =	vadd.f32 v8, v6;
	_ =	sdelay $0x1  }
0x1a2: {  	v6 =	vadd.f32 v6, v4  }
0x1a3: {  	v63 =	vld [tilespmem:s7+$0x1E5A0]  }
0x1a4: {  	v9 =	vadd.f32 $1.234560010e+02, v9;
	v6 =	vadd.f32 v6, v5;
	_ =	sdelay $0x1  }
0x1a5: {  	vm0 =	veq.f32 v7, v9;
	v6 =	vadd.f32 $1.234560010e+02, v6  }
0x1a6: {  	v7 =	vsel vm0, $0x3F800000, v0  }
0x1a7: {  	(xrf0) =	vmin.scan.msk.f32 $0xffff, v7;
	vm15 =	veq.f32 v63, v6  }
0x1a8: {  	v6 =	vsel vm15, $0x3F800000, v0  }
0x1a9: {  	(xrf0) =	vmin.scan.msk.f32 $0xffff, v6  }
0x1aa: {  	(v2sf) =	vpush v10, $0xF  }
0x1ab: {  	v6, _, _ =	vpop (xrf0)  }
0x1ac: {  	(v2sf) =	vpush v6, $0xF  }
0x1ad: {  	v6, _, _ =	vpop (xrf0)  }
0x1ae: {  	(v2sf) =	vpush v6, $0xF  }
0x1af: {  	v6, _, _ =	vpop (xrf0)  }
0x1b0: {  	(v2sf) =	vpush v6, $0xF;
	_ =	sdelay $0x4  }
0x1b1: {  	s15 =	spop (v2sf)  }
0x1b2: {  	p0 =	por !p0, !p1;
	p6 =	sgt.f32 s15, $0.0e+00  }
0x1b3: {  	p0 =	por !p0, !p0;
	s16 =	spop (v2sf)  }
0x1b4: {  	p0 =	por !p0, !p6;
	p2 =	sgt.f32 s16, $0.0e+00  }
0x1b5: {  	p0 =	por !p0, !p0;
	s17 =	spop (v2sf)  }
0x1b6: {  	p0 =	por !p0, !p2;
	p3 =	sgt.f32 s17, $0.0e+00  }
0x1b7: {  	p0 =	por !p0, !p0;
	s18 =	spop (v2sf)  }
0x1b8: {  	p0 =	por !p0, !p3;
	p4 =	sgt.f32 s18, $0.0e+00  }
0x1b9: {  	p0 =	por !p0, !p0;
	s21 =	spop (v2sf)  }
0x1ba: {  	p5 =	sgt.f32 s21, $0.0e+00;
	p0 =	por !p0, !p4  }
0x1bb: {  	p0 =	por !p0, !p0;
	s29 =	spop (v2sf)  }
0x1bc: {  	p0 =	por !p0, !p5;
	p6 =	sgt.f32 s29, $0.0e+00  }
0x1bd: {  	p0 =	por !p0, !p0  }
0x1be: {  	p0 =	por !p0, !p6  }
0x1bf: {  	p0 =	por !p0, !p0  }
.Ltmp6:
0x1c0: {  	_ = 	snop;
	(pc) =	sbr.rel @!p0 .LBB2_12-.Ltmp6, $1  }
0x1c1: {  	_ =	sdelay $0x3  }
0x1c2: {  	s15 =	simm.s32 $0x0  }
0x1c3: {  	v6 =	vld [tilespmem:s15+$0x1E590]  }
0x1c4: {  	v5 =	vimm.f32 $+Inf;
	v4 =	vimm.f32 $-Inf;
	s7 =	simm.s32 $0xC0;
	v7 =	vld [tilespmem:s15+$0x1E580]  }
.LBB2_16:
0x1c5: {  	p0 =	sne.s32 s7, $0x1740  }
.Ltmp7:
0x1c6: {  	_ = 	snop;
	(pc) =	sbr.rel @p0 .LBB2_16-.Ltmp7, $4  }
0x1c7: {  	_ = 	snop  }
0x1c8: {  	s15 =	sshra.s32 s7, $0x2;
	s7 =	sadd.s32 $0xC0, s7;
	v4 =	vmax.f32 v4, v6  }
0x1c9: {  	v6 =	vld [tilespmem:s15+$0x1E590];
	v5 =	vmin.f32 v5, v7  }
0x1ca: {  	v7 =	vld [tilespmem:s15+$0x1E580]  }
0x1cb: {  	_ =	sdelay $0x3  }
0x1cc: {  	v5 =	vmin.f32 v5, v7  }
0x1cd: {  	v4 =	vmax.f32 v4, v6;
	(xrf0) =	vmin.scan.msk.f32 $0xffff, v5  }
0x1ce: {  	(xrf0) =	vmax.scan.msk.f32 $0xffff, v4;
	_ =	sdelay $0x2  }
0x1cf: {  	v3 =	vsub.f32 v3, v2;
	_ =	sdelay $0x1  }
0x1d0: {  	v60 =	vand.u32 $0x80000000, v3;
	vm0 =	vlt.f32 v3, $0.0e+00;
	vm1 =	vgt.f32 v3, $0.0e+00;
	v4, _, _ =	vpop (xrf0)  }
0x1d1: {  	v61 =	vand.u32 $0x7FFFFFFF, v3;
	v6 =	vor.u32 v60, v1;
	v4 =	vbroadcast v4, $0xF;
	v5, _, _ =	vpop (xrf0)  }
0x1d2: {  	vm0 =	vmor vm1, vm0;
	vm14 =	vlt.f32 v61, $9.999999930e-09;
	v5 =	vbroadcast v5, $0xF  }
0x1d3: {  	v3 =	vsel vm0, v6, v3;
	v62 =	vsub.f32 v4, v2;
	v4 =	vsub.f32 v2, v4  }
0x1d4: {  	v3 =	vsel vm14, $0x3F800000, v3;
	v63 =	vsub.f32 v2, v5;
	v5 =	vsub.f32 v5, v2  }
0x1d5: {  	vm0 =	vgt.f32 v3, $0.0e+00  }
0x1d6: {  	v6 =	vsel vm0, v62, v63;
	v4 =	vsel vm0, v5, v4  }
0x1d7: {  	v4 =	vsub.f32 v4, v6;
	_ =	sdelay $0x1  }
0x1d8: {  	vm15 =	vgt.f32 v4, $1.000000010e-10  }
0x1d9: {  	v4 =	vnsel vm15, $0x3F800000, v4  }
0x1da: {  	(erf) = vrcp.f32 v4;
	_ =	sdelay $0x1  }
0x1db: {  	v4 =	vsub.f32 $0.0e+00, v3;
	_ =	sdelay $0x1  }
0x1dc: {  	v2 =	vmul.f32 v4, v2;
	_ =	sdelay $0x1  }
0x1dd: {  	v2 =	vsub.f32 v2, v6;
	_ =	sdelay $0x1  }
0x1de: {  	v3 =	vmul.f32 $3.000000120e-01, v3;
	v4 =	vmul.f32 $3.000000120e-01, v2  }
0x1df: {  	v5 =	vpop (erf)  }
0x1e0: {  	v2 =	vmul.f32 v5, v3;
	v3 =	vmul.f32 v5, v4  }
0x1e1: {  	s21 =	simm.s32 $0x0;
	s29 =	simm.s32 $0x0  }
.LBB2_18:
0x1e2: {  	_ =	swait.ge [sflag:s24], $0x1F40  }
0x1e3: {  	[sflag:s24] =	ssyncset.done $0x0  }
0x1e4: {  	s7 =	simm.s32 $0x18740;
	[sflag:s24] =	ssyncadd.s32 $0xFFFFE0C0  }
0x1e5: {  	v4 =	vld [tilespmem:s7+$0x30]  }
0x1e6: {  	v5 =	vld [tilespmem:s7+$0xFFFFFFD0]  }
0x1e7: {  	v6 =	vld [tilespmem:s7+$0xFFFFFFE0]  }
0x1e8: {  	v7 =	vld [tilespmem:s7+$0xFFFFFFF0]  }
0x1e9: {  	v10 =	vld [tilespmem:s7+$0x0]  }
0x1ea: {  	v11 =	vld [tilespmem:s7+$0x10]  }
0x1eb: {  	v12 =	vld [tilespmem:s7+$0x20]  }
0x1ec: {  	v13 =	vld [tilespmem:s7+$0xFFFFFFC0]  }
0x1ed: {  	v14 =	vld.idx.msk [tilespmem:v4+s21+$0x0], $0xffff  }
0x1ee: {  	v15 =	vld.idx.msk [tilespmem:v5+s21+$0x0], $0xffff  }
0x1ef: {  	v9 =	vld.idx.msk [tilespmem:v6+s21+$0x0], $0xffff  }
0x1f0: {  	v8 =	vld.idx.msk [tilespmem:v7+s21+$0x0], $0xffff  }
0x1f1: {  	v7 =	vld.idx.msk [tilespmem:v10+s21+$0x0], $0xffff  }
0x1f2: {  	v6 =	vld.idx.msk [tilespmem:v11+s21+$0x0], $0xffff  }
0x1f3: {  	v4 =	vld.idx.msk [tilespmem:v12+s21+$0x0], $0xffff;
	v10 =	vmul.f32 v14, v2  }
0x1f4: {  	s15 =	simm.s32 $0x0;
	s16 =	simm.s32 $0x187C0;
	v5 =	vld.idx.msk [tilespmem:v13+s21+$0x0], $0xffff;
	v11 =	vmul.f32 v15, v2  }
.LBB2_19:
0x1f5: {  	v12 =	vld [tilespmem:s16+$0x30];
	s15 =	sadd.s32 $0x8, s15;
	v9 =	vmul.f32 v9, v2;
	v10 =	vadd.f32 v10, v3  }
0x1f6: {  	v8 =	vmul.f32 v8, v2;
	v13 =	vld [tilespmem:s16+$0xFFFFFFD0];
	p0 =	slt.u32 s15, $0x1E8;
	v11 =	vadd.f32 v11, v3  }
0x1f7: {  	v7 =	vmul.f32 v7, v2;
	v14 =	vld [tilespmem:s16+$0xFFFFFFE0];
	v9 =	vadd.f32 v9, v3;
	[tilespmem:s7+$0x30] =	vst v10  }
0x1f8: {  	v8 =	vadd.f32 v8, v3;
	v6 =	vmul.f32 v6, v2;
	v10 =	vld [tilespmem:s16+$0xFFFFFFF0];
	[tilespmem:s7+$0xFFFFFFD0] =	vst v11  }
0x1f9: {  	v7 =	vadd.f32 v7, v3;
	v4 =	vmul.f32 v4, v2;
	v11 =	vld [tilespmem:s16+$0x0];
	[tilespmem:s7+$0xFFFFFFE0] =	vst v9  }
0x1fa: {  	v5 =	vmul.f32 v5, v2;
	v6 =	vadd.f32 v6, v3;
	v15 =	vld [tilespmem:s16+$0x10];
	[tilespmem:s7+$0xFFFFFFF0] =	vst v8  }
0x1fb: {  	v4 =	vadd.f32 v4, v3;
	v16 =	vld [tilespmem:s16+$0x20];
	[tilespmem:s7+$0x0] =	vst v7  }
0x1fc: {  	s17 =	simm.s32 $0x0;
	v5 =	vadd.f32 v5, v3;
	v17 =	vld [tilespmem:s16+$0xFFFFFFC0];
	[tilespmem:s7+$0x10] =	vst v6  }
0x1fd: {  	v12 =	vld.idx.msk [tilespmem:v12+s17+$0x0], $0xffff;
	[tilespmem:s7+$0x20] =	vst v4  }
0x1fe: {  	v13 =	vld.idx.msk [tilespmem:v13+s17+$0x0], $0xffff;
	[tilespmem:s7+$0xFFFFFFC0] =	vst v5;
	s7 =	smov.u32 s16  }
0x1ff: {  	v9 =	vld.idx.msk [tilespmem:v14+s17+$0x0], $0xffff  }
.Ltmp8:
0x200: {  	v8 =	vld.idx.msk [tilespmem:v10+s17+$0x0], $0xffff;
	(pc) =	sbr.rel @p0 .LBB2_19-.Ltmp8, $4  }
0x201: {  	v7 =	vld.idx.msk [tilespmem:v11+s17+$0x0], $0xffff  }
0x202: {  	v6 =	vld.idx.msk [tilespmem:v15+s17+$0x0], $0xffff  }
0x203: {  	v10 =	vmul.f32 v12, v2;
	v4 =	vld.idx.msk [tilespmem:v16+s17+$0x0], $0xffff  }
0x204: {  	s16 =	sadd.s32 $0x80, s16;
	v11 =	vmul.f32 v13, v2;
	v5 =	vld.idx.msk [tilespmem:v17+s17+$0x0], $0xffff  }
0x205: {  	v9 =	vmul.f32 v9, v2;
	v10 =	vadd.f32 v10, v3  }
0x206: {  	v8 =	vmul.f32 v8, v2;
	v11 =	vadd.f32 v11, v3  }
0x207: {  	v7 =	vmul.f32 v7, v2;
	v9 =	vadd.f32 v9, v3;
	[tilespmem:s7+$0x30] =	vst v10  }
0x208: {  	v8 =	vadd.f32 v8, v3;
	v6 =	vmul.f32 v6, v2;
	[tilespmem:s7+$0xFFFFFFD0] =	vst v11  }
0x209: {  	v7 =	vadd.f32 v7, v3;
	v4 =	vmul.f32 v4, v2;
	[tilespmem:s7+$0xFFFFFFE0] =	vst v9  }
0x20a: {  	v5 =	vmul.f32 v5, v2;
	[tilespmem:s7+$0xFFFFFFF0] =	vst v8;
	v6 =	vadd.f32 v6, v3  }
0x20b: {  	[tilespmem:s7+$0x0] =	vst v7;
	v4 =	vadd.f32 v4, v3  }
0x20c: {  	v5 =	vadd.f32 v5, v3;
	[tilespmem:s7+$0x10] =	vst v6  }
0x20d: {  	[tilespmem:s7+$0x20] =	vst v4  }
0x20e: {  	[tilespmem:s7+$0xFFFFFFC0] =	vst v5  }
.LBB2_21:
0x20f: {  	s7 =	sshra.s32 s17, $0x2  }
0x210: {  	v4 =	vld [tilespmem:s7+$0x1A600];
	_ =	sdelay $0x7  }
0x211: {  	v4 =	vld.idx.msk [tilespmem:v4+s4+$0x0], $0xffff;
	_ =	sdelay $0x3  }
0x212: {  	p0 =	sne.s32 s17, $0xC0  }
.Ltmp9:
0x213: {  	v4 =	vmul.f32 v4, v2;
	(pc) =	sbr.rel @p0 .LBB2_21-.Ltmp9, $3  }
0x214: {  	_ = 	snop  }
0x215: {  	v4 =	vadd.f32 v4, v3;
	_ =	sdelay $0x1  }
0x216: {  	s17 =	sadd.s32 $0x40, s17;
	[tilespmem:s7+$0x1A600] =	vst v4  }
0x217: {  	s7 =	smul.u32 $0x5DC0, s29;
	_ =	sdelay $0x1  }
0x218: {  	s15 =	sadd.s32 s5, s7  }
0x219: {  	s15 =	sshrl.u32 s15, $0x3  }
0x21a: {  	p0 =	seq.s32 s29, $0x0;
	s15 =	sadd.s32 s3, s15  }
0x21b: {  	[hbm4b:s15+s4] =	stream.linear.scatter [tilespmem:s19], [sflag:$0x5], $0x1F40, $0x38;
	[tilespmem:$0x1EC80] =	vst v63  }
0x21c: {  	s15 =	simm.s32 @!p0 $0x7  }
0x21d: {  	_ =	swait.ge @!p0 [sflag:s15], $0x1F40  }
0x21e: {  	s16 =	sadd.s32 @!p0 s7, s12;
	[sflag:s15] =	ssyncset.done @!p0 $0x0  }
0x21f: {  	[sflag:s15] =	ssyncadd.s32 @!p0 $0xFFFFE0C0;
	s15 =	sshrl.u32 @!p0 s16, $0x3  }
0x220: {  	s17 =	simm.s32 @!p0 $0x1C600;
	s16 =	simm.s32 @!p0 $0x0;
	s15 =	sadd.s32 @!p0 s6, s15  }
0x221: {  	[tilespmem:s17], [sflag:$0x4] =	stream.linear.gather @!p0 [hbm4b:s15+s16], $0x1F40, $0x38;
	[tilespmem:$0x1EC80] =	vst v63  }
0x222: {  	_ =	swait.ge [sflag:s26], $0x1F40  }
0x223: {  	[sflag:s26] =	ssyncset.done $0x0  }
0x224: {  	s16 =	simm.s32 $0x1A6C0;
	[sflag:s26] =	ssyncadd.s32 $0xFFFFE0C0  }
0x225: {  	v4 =	vld [tilespmem:s16+$0x30]  }
0x226: {  	v5 =	vld [tilespmem:s16+$0xFFFFFFD0]  }
0x227: {  	v6 =	vld [tilespmem:s16+$0xFFFFFFE0]  }
0x228: {  	v7 =	vld [tilespmem:s16+$0xFFFFFFF0]  }
0x229: {  	v10 =	vld [tilespmem:s16+$0x0]  }
0x22a: {  	v11 =	vld [tilespmem:s16+$0x10]  }
0x22b: {  	v12 =	vld [tilespmem:s16+$0x20]  }
0x22c: {  	s15 =	simm.s32 $0x0;
	v13 =	vld [tilespmem:s16+$0xFFFFFFC0]  }
0x22d: {  	v14 =	vld.idx.msk [tilespmem:v4+s15+$0x0], $0xffff  }
0x22e: {  	v15 =	vld.idx.msk [tilespmem:v5+s15+$0x0], $0xffff  }
0x22f: {  	v9 =	vld.idx.msk [tilespmem:v6+s15+$0x0], $0xffff  }
0x230: {  	v8 =	vld.idx.msk [tilespmem:v7+s15+$0x0], $0xffff  }
0x231: {  	v7 =	vld.idx.msk [tilespmem:v10+s15+$0x0], $0xffff  }
0x232: {  	v6 =	vld.idx.msk [tilespmem:v11+s15+$0x0], $0xffff  }
0x233: {  	v4 =	vld.idx.msk [tilespmem:v12+s15+$0x0], $0xffff;
	v10 =	vmul.f32 v14, v2  }
0x234: {  	s18 =	simm.s32 $0x1A740;
	s17 =	simm.s32 $0x0;
	v5 =	vld.idx.msk [tilespmem:v13+s15+$0x0], $0xffff;
	v11 =	vmul.f32 v15, v2  }
.LBB2_23:
0x235: {  	v12 =	vld [tilespmem:s18+$0x30];
	s17 =	sadd.s32 $0x8, s17;
	v9 =	vmul.f32 v9, v2;
	v10 =	vadd.f32 v10, v3  }
0x236: {  	v8 =	vmul.f32 v8, v2;
	v13 =	vld [tilespmem:s18+$0xFFFFFFD0];
	p0 =	slt.u32 s17, $0x1E8;
	v11 =	vadd.f32 v11, v3  }
0x237: {  	v7 =	vmul.f32 v7, v2;
	v14 =	vld [tilespmem:s18+$0xFFFFFFE0];
	v9 =	vadd.f32 v9, v3;
	[tilespmem:s16+$0x30] =	vst v10  }
0x238: {  	v8 =	vadd.f32 v8, v3;
	v6 =	vmul.f32 v6, v2;
	v10 =	vld [tilespmem:s18+$0xFFFFFFF0];
	[tilespmem:s16+$0xFFFFFFD0] =	vst v11  }
0x239: {  	v7 =	vadd.f32 v7, v3;
	v4 =	vmul.f32 v4, v2;
	v11 =	vld [tilespmem:s18+$0x0];
	[tilespmem:s16+$0xFFFFFFE0] =	vst v9  }
0x23a: {  	v5 =	vmul.f32 v5, v2;
	v6 =	vadd.f32 v6, v3;
	v15 =	vld [tilespmem:s18+$0x10];
	[tilespmem:s16+$0xFFFFFFF0] =	vst v8  }
0x23b: {  	v4 =	vadd.f32 v4, v3;
	v16 =	vld [tilespmem:s18+$0x20];
	[tilespmem:s16+$0x0] =	vst v7  }
0x23c: {  	v5 =	vadd.f32 v5, v3;
	v17 =	vld [tilespmem:s18+$0xFFFFFFC0];
	[tilespmem:s16+$0x10] =	vst v6  }
0x23d: {  	v12 =	vld.idx.msk [tilespmem:v12+s15+$0x0], $0xffff;
	[tilespmem:s16+$0x20] =	vst v4  }
0x23e: {  	v13 =	vld.idx.msk [tilespmem:v13+s15+$0x0], $0xffff;
	[tilespmem:s16+$0xFFFFFFC0] =	vst v5;
	s16 =	smov.u32 s18  }
0x23f: {  	v9 =	vld.idx.msk [tilespmem:v14+s15+$0x0], $0xffff  }
.Ltmp10:
0x240: {  	v8 =	vld.idx.msk [tilespmem:v10+s15+$0x0], $0xffff;
	(pc) =	sbr.rel @p0 .LBB2_23-.Ltmp10, $4  }
0x241: {  	v7 =	vld.idx.msk [tilespmem:v11+s15+$0x0], $0xffff  }
0x242: {  	v6 =	vld.idx.msk [tilespmem:v15+s15+$0x0], $0xffff  }
0x243: {  	v10 =	vmul.f32 v12, v2;
	v4 =	vld.idx.msk [tilespmem:v16+s15+$0x0], $0xffff  }
0x244: {  	s18 =	sadd.s32 $0x80, s18;
	v11 =	vmul.f32 v13, v2;
	v5 =	vld.idx.msk [tilespmem:v17+s15+$0x0], $0xffff  }
0x245: {  	v9 =	vmul.f32 v9, v2;
	v10 =	vadd.f32 v10, v3  }
0x246: {  	v8 =	vmul.f32 v8, v2;
	v11 =	vadd.f32 v11, v3  }
0x247: {  	v7 =	vmul.f32 v7, v2;
	v9 =	vadd.f32 v9, v3;
	[tilespmem:s16+$0x30] =	vst v10  }
0x248: {  	v8 =	vadd.f32 v8, v3;
	v6 =	vmul.f32 v6, v2;
	[tilespmem:s16+$0xFFFFFFD0] =	vst v11  }
0x249: {  	v7 =	vadd.f32 v7, v3;
	v4 =	vmul.f32 v4, v2;
	[tilespmem:s16+$0xFFFFFFE0] =	vst v9  }
0x24a: {  	v5 =	vmul.f32 v5, v2;
	[tilespmem:s16+$0xFFFFFFF0] =	vst v8;
	v6 =	vadd.f32 v6, v3  }
0x24b: {  	[tilespmem:s16+$0x0] =	vst v7;
	v4 =	vadd.f32 v4, v3  }
0x24c: {  	v5 =	vadd.f32 v5, v3;
	[tilespmem:s16+$0x10] =	vst v6  }
0x24d: {  	[tilespmem:s16+$0x20] =	vst v4  }
0x24e: {  	[tilespmem:s16+$0xFFFFFFC0] =	vst v5  }
.LBB2_25:
0x24f: {  	s16 =	sshra.s32 s15, $0x2  }
0x250: {  	v4 =	vld [tilespmem:s16+$0x1C580];
	_ =	sdelay $0x7  }
0x251: {  	v4 =	vld.idx.msk [tilespmem:v4+s4+$0x0], $0xffff;
	_ =	sdelay $0x3  }
0x252: {  	p0 =	sne.s32 s15, $0xC0  }
.Ltmp11:
0x253: {  	v4 =	vmul.f32 v4, v2;
	(pc) =	sbr.rel @p0 .LBB2_25-.Ltmp11, $3  }
0x254: {  	_ = 	snop  }
0x255: {  	v4 =	vadd.f32 v4, v3;
	_ =	sdelay $0x1  }
0x256: {  	s15 =	sadd.s32 $0x40, s15;
	[tilespmem:s16+$0x1C580] =	vst v4  }
0x257: {  	s15 =	sadd.s32 s7, s9  }
0x258: {  	s15 =	sshrl.u32 s15, $0x3  }
0x259: {  	s15 =	sadd.s32 s3, s15  }
0x25a: {  	[hbm4b:s15+s4] =	stream.linear.scatter [tilespmem:s20], [sflag:$0x6], $0x1F40, $0x38;
	[tilespmem:$0x1EC80] =	vst v63  }
0x25b: {  	s18 =	sadd.s32 s7, s13;
	_ =	swait.ge [sflag:s31], $0x1F40  }
0x25c: {  	s15 =	sshrl.u32 s18, $0x3;
	[sflag:s31] =	ssyncset.done $0x0  }
0x25d: {  	s15 =	sadd.s32 s6, s15;
	[sflag:s31] =	ssyncadd.s32 $0xFFFFE0C0  }
0x25e: {  	[tilespmem:s19], [sflag:$0x2] =	stream.linear.gather [hbm4b:s15+s4], $0x1F40, $0x38;
	[tilespmem:$0x1EC80] =	vst v63  }
0x25f: {  	_ =	swait.ge [sflag:s28], $0x1F40  }
0x260: {  	[sflag:s28] =	ssyncset.done $0x0  }
0x261: {  	s16 =	simm.s32 $0x1C640;
	[sflag:s28] =	ssyncadd.s32 $0xFFFFE0C0  }
0x262: {  	v4 =	vld [tilespmem:s16+$0x30]  }
0x263: {  	v5 =	vld [tilespmem:s16+$0xFFFFFFD0]  }
0x264: {  	v6 =	vld [tilespmem:s16+$0xFFFFFFE0]  }
0x265: {  	v7 =	vld [tilespmem:s16+$0xFFFFFFF0]  }
0x266: {  	v10 =	vld [tilespmem:s16+$0x0]  }
0x267: {  	v11 =	vld [tilespmem:s16+$0x10]  }
0x268: {  	v12 =	vld [tilespmem:s16+$0x20]  }
0x269: {  	s15 =	simm.s32 $0x0;
	v13 =	vld [tilespmem:s16+$0xFFFFFFC0]  }
0x26a: {  	v14 =	vld.idx.msk [tilespmem:v4+s15+$0x0], $0xffff  }
0x26b: {  	v15 =	vld.idx.msk [tilespmem:v5+s15+$0x0], $0xffff  }
0x26c: {  	v9 =	vld.idx.msk [tilespmem:v6+s15+$0x0], $0xffff  }
0x26d: {  	v8 =	vld.idx.msk [tilespmem:v7+s15+$0x0], $0xffff  }
0x26e: {  	v7 =	vld.idx.msk [tilespmem:v10+s15+$0x0], $0xffff  }
0x26f: {  	v6 =	vld.idx.msk [tilespmem:v11+s15+$0x0], $0xffff  }
0x270: {  	v4 =	vld.idx.msk [tilespmem:v12+s15+$0x0], $0xffff;
	v10 =	vmul.f32 v14, v2  }
0x271: {  	s17 =	simm.s32 $0x0;
	s18 =	simm.s32 $0x1C6C0;
	v5 =	vld.idx.msk [tilespmem:v13+s15+$0x0], $0xffff;
	v11 =	vmul.f32 v15, v2  }
.LBB2_27:
0x272: {  	v12 =	vld [tilespmem:s18+$0x30];
	s17 =	sadd.s32 $0x8, s17;
	v9 =	vmul.f32 v9, v2;
	v10 =	vadd.f32 v10, v3  }
0x273: {  	v8 =	vmul.f32 v8, v2;
	v13 =	vld [tilespmem:s18+$0xFFFFFFD0];
	p0 =	slt.u32 s17, $0x1E8;
	v11 =	vadd.f32 v11, v3  }
0x274: {  	v7 =	vmul.f32 v7, v2;
	v14 =	vld [tilespmem:s18+$0xFFFFFFE0];
	v9 =	vadd.f32 v9, v3;
	[tilespmem:s16+$0x30] =	vst v10  }
0x275: {  	v8 =	vadd.f32 v8, v3;
	v6 =	vmul.f32 v6, v2;
	v10 =	vld [tilespmem:s18+$0xFFFFFFF0];
	[tilespmem:s16+$0xFFFFFFD0] =	vst v11  }
0x276: {  	v7 =	vadd.f32 v7, v3;
	v4 =	vmul.f32 v4, v2;
	v11 =	vld [tilespmem:s18+$0x0];
	[tilespmem:s16+$0xFFFFFFE0] =	vst v9  }
0x277: {  	v5 =	vmul.f32 v5, v2;
	v6 =	vadd.f32 v6, v3;
	v15 =	vld [tilespmem:s18+$0x10];
	[tilespmem:s16+$0xFFFFFFF0] =	vst v8  }
0x278: {  	v4 =	vadd.f32 v4, v3;
	v16 =	vld [tilespmem:s18+$0x20];
	[tilespmem:s16+$0x0] =	vst v7  }
0x279: {  	v5 =	vadd.f32 v5, v3;
	v17 =	vld [tilespmem:s18+$0xFFFFFFC0];
	[tilespmem:s16+$0x10] =	vst v6  }
0x27a: {  	v12 =	vld.idx.msk [tilespmem:v12+s15+$0x0], $0xffff;
	[tilespmem:s16+$0x20] =	vst v4  }
0x27b: {  	v13 =	vld.idx.msk [tilespmem:v13+s15+$0x0], $0xffff;
	[tilespmem:s16+$0xFFFFFFC0] =	vst v5;
	s16 =	smov.u32 s18  }
0x27c: {  	v9 =	vld.idx.msk [tilespmem:v14+s15+$0x0], $0xffff  }
.Ltmp12:
0x27d: {  	v8 =	vld.idx.msk [tilespmem:v10+s15+$0x0], $0xffff;
	(pc) =	sbr.rel @p0 .LBB2_27-.Ltmp12, $4  }
0x27e: {  	v7 =	vld.idx.msk [tilespmem:v11+s15+$0x0], $0xffff  }
0x27f: {  	v6 =	vld.idx.msk [tilespmem:v15+s15+$0x0], $0xffff  }
0x280: {  	v10 =	vmul.f32 v12, v2;
	v4 =	vld.idx.msk [tilespmem:v16+s15+$0x0], $0xffff  }
0x281: {  	s18 =	sadd.s32 $0x80, s18;
	v11 =	vmul.f32 v13, v2;
	v5 =	vld.idx.msk [tilespmem:v17+s15+$0x0], $0xffff  }
0x282: {  	v9 =	vmul.f32 v9, v2;
	v10 =	vadd.f32 v10, v3  }
0x283: {  	v8 =	vmul.f32 v8, v2;
	v11 =	vadd.f32 v11, v3  }
0x284: {  	v7 =	vmul.f32 v7, v2;
	v9 =	vadd.f32 v9, v3;
	[tilespmem:s16+$0x30] =	vst v10  }
0x285: {  	v8 =	vadd.f32 v8, v3;
	v6 =	vmul.f32 v6, v2;
	[tilespmem:s16+$0xFFFFFFD0] =	vst v11  }
0x286: {  	v7 =	vadd.f32 v7, v3;
	v4 =	vmul.f32 v4, v2;
	[tilespmem:s16+$0xFFFFFFE0] =	vst v9  }
0x287: {  	v5 =	vmul.f32 v5, v2;
	[tilespmem:s16+$0xFFFFFFF0] =	vst v8;
	v6 =	vadd.f32 v6, v3  }
0x288: {  	[tilespmem:s16+$0x0] =	vst v7;
	v4 =	vadd.f32 v4, v3  }
0x289: {  	v5 =	vadd.f32 v5, v3;
	[tilespmem:s16+$0x10] =	vst v6  }
0x28a: {  	[tilespmem:s16+$0x20] =	vst v4  }
0x28b: {  	[tilespmem:s16+$0xFFFFFFC0] =	vst v5  }
.LBB2_29:
0x28c: {  	s16 =	sshra.s32 s15, $0x2  }
0x28d: {  	v4 =	vld [tilespmem:s16+$0x1E500];
	_ =	sdelay $0x7  }
0x28e: {  	v4 =	vld.idx.msk [tilespmem:v4+s4+$0x0], $0xffff;
	_ =	sdelay $0x3  }
0x28f: {  	p0 =	sne.s32 s15, $0xC0  }
.Ltmp13:
0x290: {  	v4 =	vmul.f32 v4, v2;
	(pc) =	sbr.rel @p0 .LBB2_29-.Ltmp13, $3  }
0x291: {  	_ = 	snop  }
0x292: {  	v4 =	vadd.f32 v4, v3;
	_ =	sdelay $0x1  }
0x293: {  	s15 =	sadd.s32 $0x40, s15;
	[tilespmem:s16+$0x1E500] =	vst v4  }
0x294: {  	s15 =	sadd.s32 s7, s12  }
0x295: {  	p0 =	seq.s32 s29, $0x7;
	s15 =	sshrl.u32 s15, $0x3  }
.Ltmp14:
0x296: {  	s15 =	sadd.s32 s3, s15;
	(pc) =	sbr.rel @p0 .LBB2_32-.Ltmp14, $4  }
0x297: {  	[hbm4b:s15+s4] =	stream.linear.scatter [tilespmem:s25], [sflag:$0x7], $0x1F40, $0x38;
	[tilespmem:$0x1EC80] =	vst v63  }
0x298: {  	_ =	swait.ge [sflag:s0], $0x1F40  }
0x299: {  	[sflag:s0] =	ssyncset.done $0x0  }
0x29a: {  	[sflag:s0] =	ssyncadd.s32 $0xFFFFE0C0  }
.Ltmp15:
0x29b: {  	(pc) =	sbr.rel .LBB2_18-.Ltmp15, $4  }
0x29c: {  	s7 =	sadd.s32 s7, s14  }
0x29d: {  	s7 =	sshrl.u32 s7, $0x3  }
0x29e: {  	s29 =	sadd.s32 $0x1, s29;
	s7 =	sadd.s32 s6, s7  }
0x29f: {  	[tilespmem:s20], [sflag:$0x3] =	stream.linear.gather [hbm4b:s7+s4], $0x1F40, $0x38;
	[tilespmem:$0x1EC80] =	vst v63  }
.LBB2_32:
0x2a0: {  	_ =	swait.ge [sflag:s24], $0x1F40  }
0x2a1: {  	[sflag:s24] =	ssyncset.done $0x0  }
0x2a2: {  	[sflag:s24] =	ssyncadd.s32 $0xFFFFE0C0  }
0x2a3: {  	_ =	swait.ge [sflag:s2], $0x1F40  }
0x2a4: {  	[sflag:s2] =	ssyncset.done $0x0  }
0x2a5: {  	s15 =	simm.s32 $0x18740;
	[sflag:s2] =	ssyncadd.s32 $0xFFFFE0C0  }
0x2a6: {  	v4 =	vld [tilespmem:s15+$0x30]  }
0x2a7: {  	v5 =	vld [tilespmem:s15+$0xFFFFFFD0]  }
0x2a8: {  	v6 =	vld [tilespmem:s15+$0xFFFFFFE0]  }
0x2a9: {  	v7 =	vld [tilespmem:s15+$0xFFFFFFF0]  }
0x2aa: {  	v10 =	vld [tilespmem:s15+$0x0]  }
0x2ab: {  	v11 =	vld [tilespmem:s15+$0x10]  }
0x2ac: {  	v12 =	vld [tilespmem:s15+$0x20]  }
0x2ad: {  	s7 =	simm.s32 $0x0;
	v13 =	vld [tilespmem:s15+$0xFFFFFFC0]  }
0x2ae: {  	v14 =	vld.idx.msk [tilespmem:v4+s7+$0x0], $0xffff  }
0x2af: {  	v15 =	vld.idx.msk [tilespmem:v5+s7+$0x0], $0xffff  }
0x2b0: {  	v9 =	vld.idx.msk [tilespmem:v6+s7+$0x0], $0xffff  }
0x2b1: {  	v8 =	vld.idx.msk [tilespmem:v7+s7+$0x0], $0xffff  }
0x2b2: {  	v7 =	vld.idx.msk [tilespmem:v10+s7+$0x0], $0xffff  }
0x2b3: {  	v6 =	vld.idx.msk [tilespmem:v11+s7+$0x0], $0xffff  }
0x2b4: {  	v4 =	vld.idx.msk [tilespmem:v12+s7+$0x0], $0xffff;
	v10 =	vmul.f32 v14, v2  }
0x2b5: {  	s16 =	simm.s32 $0x0;
	s17 =	simm.s32 $0x187C0;
	v5 =	vld.idx.msk [tilespmem:v13+s7+$0x0], $0xffff;
	v11 =	vmul.f32 v15, v2  }
.LBB2_33:
0x2b6: {  	v12 =	vld [tilespmem:s17+$0x30];
	s16 =	sadd.s32 $0x8, s16;
	v9 =	vmul.f32 v9, v2;
	v10 =	vadd.f32 v10, v3  }
0x2b7: {  	v8 =	vmul.f32 v8, v2;
	v13 =	vld [tilespmem:s17+$0xFFFFFFD0];
	p0 =	slt.u32 s16, $0x1E8;
	v11 =	vadd.f32 v11, v3  }
0x2b8: {  	v7 =	vmul.f32 v7, v2;
	v14 =	vld [tilespmem:s17+$0xFFFFFFE0];
	v9 =	vadd.f32 v9, v3;
	[tilespmem:s15+$0x30] =	vst v10  }
0x2b9: {  	v8 =	vadd.f32 v8, v3;
	v6 =	vmul.f32 v6, v2;
	v10 =	vld [tilespmem:s17+$0xFFFFFFF0];
	[tilespmem:s15+$0xFFFFFFD0] =	vst v11  }
0x2ba: {  	v7 =	vadd.f32 v7, v3;
	v4 =	vmul.f32 v4, v2;
	v11 =	vld [tilespmem:s17+$0x0];
	[tilespmem:s15+$0xFFFFFFE0] =	vst v9  }
0x2bb: {  	v5 =	vmul.f32 v5, v2;
	v6 =	vadd.f32 v6, v3;
	v15 =	vld [tilespmem:s17+$0x10];
	[tilespmem:s15+$0xFFFFFFF0] =	vst v8  }
0x2bc: {  	v4 =	vadd.f32 v4, v3;
	v16 =	vld [tilespmem:s17+$0x20];
	[tilespmem:s15+$0x0] =	vst v7  }
0x2bd: {  	v5 =	vadd.f32 v5, v3;
	v17 =	vld [tilespmem:s17+$0xFFFFFFC0];
	[tilespmem:s15+$0x10] =	vst v6  }
0x2be: {  	v12 =	vld.idx.msk [tilespmem:v12+s7+$0x0], $0xffff;
	[tilespmem:s15+$0x20] =	vst v4  }
0x2bf: {  	v13 =	vld.idx.msk [tilespmem:v13+s7+$0x0], $0xffff;
	[tilespmem:s15+$0xFFFFFFC0] =	vst v5;
	s15 =	smov.u32 s17  }
0x2c0: {  	v9 =	vld.idx.msk [tilespmem:v14+s7+$0x0], $0xffff  }
.Ltmp16:
0x2c1: {  	v8 =	vld.idx.msk [tilespmem:v10+s7+$0x0], $0xffff;
	(pc) =	sbr.rel @p0 .LBB2_33-.Ltmp16, $4  }
0x2c2: {  	v7 =	vld.idx.msk [tilespmem:v11+s7+$0x0], $0xffff  }
0x2c3: {  	v6 =	vld.idx.msk [tilespmem:v15+s7+$0x0], $0xffff  }
0x2c4: {  	v10 =	vmul.f32 v12, v2;
	v4 =	vld.idx.msk [tilespmem:v16+s7+$0x0], $0xffff  }
0x2c5: {  	s17 =	sadd.s32 $0x80, s17;
	v11 =	vmul.f32 v13, v2;
	v5 =	vld.idx.msk [tilespmem:v17+s7+$0x0], $0xffff  }
0x2c6: {  	v9 =	vmul.f32 v9, v2;
	v10 =	vadd.f32 v10, v3  }
0x2c7: {  	v8 =	vmul.f32 v8, v2;
	v11 =	vadd.f32 v11, v3  }
0x2c8: {  	v7 =	vmul.f32 v7, v2;
	v9 =	vadd.f32 v9, v3;
	[tilespmem:s15+$0x30] =	vst v10  }
0x2c9: {  	v8 =	vadd.f32 v8, v3;
	v6 =	vmul.f32 v6, v2;
	[tilespmem:s15+$0xFFFFFFD0] =	vst v11  }
0x2ca: {  	v7 =	vadd.f32 v7, v3;
	v4 =	vmul.f32 v4, v2;
	[tilespmem:s15+$0xFFFFFFE0] =	vst v9  }
0x2cb: {  	v5 =	vmul.f32 v5, v2;
	[tilespmem:s15+$0xFFFFFFF0] =	vst v8;
	v6 =	vadd.f32 v6, v3  }
0x2cc: {  	[tilespmem:s15+$0x0] =	vst v7;
	v4 =	vadd.f32 v4, v3  }
0x2cd: {  	v5 =	vadd.f32 v5, v3;
	[tilespmem:s15+$0x10] =	vst v6  }
0x2ce: {  	[tilespmem:s15+$0x20] =	vst v4  }
0x2cf: {  	[tilespmem:s15+$0xFFFFFFC0] =	vst v5  }
.LBB2_35:
0x2d0: {  	s15 =	sshra.s32 s7, $0x2  }
0x2d1: {  	v4 =	vld [tilespmem:s15+$0x1A600];
	_ =	sdelay $0x7  }
0x2d2: {  	v4 =	vld.idx.msk [tilespmem:v4+s4+$0x0], $0xffff;
	_ =	sdelay $0x3  }
0x2d3: {  	p0 =	sne.s32 s7, $0xC0  }
.Ltmp17:
0x2d4: {  	v4 =	vmul.f32 v4, v2;
	(pc) =	sbr.rel @p0 .LBB2_35-.Ltmp17, $3  }
0x2d5: {  	_ = 	snop  }
0x2d6: {  	v4 =	vadd.f32 v4, v3;
	_ =	sdelay $0x1  }
0x2d7: {  	s7 =	sadd.s32 $0x40, s7;
	[tilespmem:s15+$0x1A600] =	vst v4  }
0x2d8: {  	s7 =	rddreg [dreg:$0x7]  }
0x2d9: {  	[hbm4b:s7+s4] =	stream.linear.scatter [tilespmem:s19], [sflag:$0x5], $0x1F40, $0x38;
	[tilespmem:$0x1EC80] =	vst v63  }
0x2da: {  	_ =	swait.ge [sflag:s31], $0x1F40  }
0x2db: {  	s1 =	sadd.s32 $0x1, s1;
	s29 =	rddreg [dreg:$0x8]  }
0x2dc: {  	p0 =	sne.s32 s1, s29  }
.Ltmp18:
0x2dd: {  	_ = 	snop;
	(pc) =	sbr.rel @p0 .LBB2_1-.Ltmp18, $3  }
0x2de: {  	_ =	sdelay $0x1  }
0x2df: {  	[sflag:s31] =	ssyncset.done $0x0  }
0x2e0: {  	[sflag:s31] =	ssyncadd.s32 $0xFFFFE0C0  }
0x2e1: {  	_ =	sfence.sel $0x180000  }
0x2e2: {  	[bflag:$0x0] =	sbarrier.arrive $0xFFFF  }
0x2e3: {  	_ =	strace $0x90000047  }
0x2e4: {  	s0 =	stileid.u32;
	[bflag:$0x2] =	sbarrier.arrive $0xFFFF  }
0x2e5: {  	p0 =	sne.s32 s0, $0x0;
	s0 =	rddreg [dreg:$0x3]  }
0x2e6: {  	s0 =	sadd.s32 @!p0 $0x100000, s0  }
0x2e7: {  	[sflag:s0] =	ssyncadd.tile.s32 @!p0 $0x1;
	_ =	shalt  }
.Lfunc_end2:
_tile_overlayer_lowered:
.L_overlay_start_2:
0x2e8: {  	(tag) =	ssettag $0x2  }
0x2e9: {  	s0 =	rddreg [dreg:$0x0];
	s2 =	stileid.u32  }
0x2ea: {  	s1 =	rddreg [dreg:$0x1];
	p0 =	sne.s32 s2, $0x0  }
0x2eb: {  	s3 =	rddreg [dreg:$0x2];
	[bflag:$0x3] =	sbarrier.arrive $0xFFFF;
	s2 =	simm.s32 @!p0 $0x1C08  }
0x2ec: {  	[timem:s3], [sflag:s2] =	dma.local @!p0 [hbm:s0], s1  }
0x2ed: {  	s0 =	simm.s32 @!p0 $0x8  }
0x2ee: {  	_ =	swait.ge @!p0 [sflag:s0], s1  }
0x2ef: {  	s1 =	ssub.s32 @!p0 $0x0, s1;
	[sflag:s0] =	ssyncset.done @!p0 $0x0  }
0x2f0: {  	[sflag:s0] =	ssyncadd.s32 @!p0 s1  }
0x2f1: {  	[bflag:$0x3] =	sbarrier.arrive $0xFFFF  }
0x2f2: {  	_ =	shalt  }

</sc_bundles>
